<compile_context>
chip_gen: v7x
topology: tpu7x:2x2x1
jax: 0.10.2.dev20260603
libtpu: 0.0.44.dev20260713+nightly
codegen_flags: <defaults>
</compile_context>

<pallas_src>
import functools

import jax
import jax.numpy as jnp
from jax import lax
from jax.experimental import pallas as pl
from jax.experimental.pallas import tpu as pltpu
from jax.experimental.pallas import tpu_sc as plsc

N = 10000
E = 320000
D = 128

_NC = 2
_NS = 16
_NW = _NC * _NS
_EPT = E // _NW
_C = 80
_NCHUNK = _EPT // _C
_GC = 64
_NG = 2
_EPT_P = _NG * _GC * _C
_E_P = _NW * _EPT_P
_NPAD = N + _C
_RB = 80
_NZB = _NPAD // _RB
_NRB = N // _RB
_RBI = (_NZB + _NS - 1) // _NS
_MM_B = 1000

_mesh = plsc.VectorSubcoreMesh(core_axis_name="c", subcore_axis_name="s")


@functools.partial(
    pl.kernel,
    out_type=jax.ShapeDtypeStruct((_NC * N, 16), jnp.float32),
    mesh=_mesh,
    scratch_types=[
        pltpu.VMEM((_NCHUNK, _C), jnp.int32),
        pltpu.VMEM((_C, 16), jnp.float32),
        pltpu.VMEM((_RB, 16), jnp.float32),
        pltpu.VMEM_SHARED((N, 16), jnp.float32),
    ],
)
def _sc_deg(dst_hbm, out_hbm, di_v, ones_v, zb_v, acc_sh):
    c = lax.axis_index("c")
    s = lax.axis_index("s")
    t = s * _NC + c

    @pl.loop(0, _C)
    def _(i):
        ones_v[i, pl.ds(0, 16)] = jnp.ones((16,), jnp.float32)

    @pl.loop(0, _RB)
    def _(i):
        zb_v[i, pl.ds(0, 16)] = jnp.zeros((16,), jnp.float32)

    @pl.loop(0, _RBI)
    def _(i):
        k = s + i * _NS

        @pl.when(k < _NRB)
        def _():
            pltpu.sync_copy(zb_v, acc_sh.at[pl.ds(k * _RB, _RB)])

    plsc.subcore_barrier()

    pltpu.sync_copy(dst_hbm.at[t], di_v)

    @pl.loop(0, _NCHUNK)
    def _(it):
        pltpu.sync_copy(ones_v, acc_sh.at[di_v.at[it]], add=True)

    plsc.subcore_barrier()

    @pl.loop(0, _RBI)
    def _(i):
        k = s + i * _NS

        @pl.when(k < _NRB)
        def _():
            pltpu.sync_copy(acc_sh.at[pl.ds(k * _RB, _RB)],
                            out_hbm.at[pl.ds(c * N + k * _RB, _RB)])


@functools.partial(
    pl.kernel,
    out_type=jax.ShapeDtypeStruct((_NC * N, D), jnp.float32),
    mesh=_mesh,
    scratch_types=[
        pltpu.VMEM((_GC, _C), jnp.int32),
        pltpu.VMEM((_GC, _C), jnp.int32),
        pltpu.VMEM((_C, D), jnp.float32),
        pltpu.VMEM((_C, D), jnp.float32),
        pltpu.VMEM_SHARED((_NPAD, D), jnp.float32),
        pltpu.SemaphoreType.DMA,
    ],
)
def _sc_agg(xs_hbm, src_hbm, dst_hbm, out_hbm, si_v, di_v, r0_v, r1_v,
            acc_sh, sem0):
    c = lax.axis_index("c")
    s = lax.axis_index("s")
    t = s * _NC + c

    @pl.loop(0, _RB)
    def _(i):
        @pl.loop(0, D, step=16)
        def _(j):
            r0_v[i, pl.ds(j, 16)] = jnp.zeros((16,), jnp.float32)

    @pl.loop(0, _RBI)
    def _(i):
        k = s + i * _NS

        @pl.when(k < _NZB)
        def _():
            pltpu.sync_copy(r0_v, acc_sh.at[pl.ds(k * _RB, _RB)])

    plsc.subcore_barrier()

    def _start(it, buf, sem):
        pltpu.async_copy(xs_hbm.at[si_v.at[it]], buf, sem)

    def _wait(it, buf, sem):
        pltpu.make_async_copy(xs_hbm.at[si_v.at[it]], buf, sem).wait()

    def _scat(it, buf):
        pltpu.sync_copy(buf, acc_sh.at[di_v.at[it]], add=True)

    for _g in range(_NG):
        pltpu.sync_copy(src_hbm.at[t, _g], si_v)
        pltpu.sync_copy(dst_hbm.at[t, _g], di_v)

        @pl.loop(0, _GC)
        def _(i):
            pltpu.async_copy(xs_hbm.at[si_v.at[i]], r0_v, sem0).wait()
            _scat(i, r0_v)

    plsc.subcore_barrier()

    @pl.loop(0, _RBI)
    def _(i):
        k = s + i * _NS

        @pl.when(k < _NRB)
        def _():
            pltpu.sync_copy(acc_sh.at[pl.ds(k * _RB, _RB)],
                            out_hbm.at[pl.ds(c * N + k * _RB, _RB)])


def _dis_block(dp_ref):
    deg = dp_ref[0, :, 0:1] + dp_ref[1, :, 0:1] + 1.0
    return lax.rsqrt(deg)


def _tc_mm_scale(degp, x, W):

    def body(dp_ref, x_ref, w_ref, xw_ref, xs_ref):
        xw = jnp.dot(x_ref[...], w_ref[...], preferred_element_type=jnp.float32)
        xw_ref[...] = xw
        xs_ref[...] = xw * _dis_block(dp_ref)

    return pl.pallas_call(
        body,
        grid=(N // _MM_B,),
        in_specs=[
            pl.BlockSpec((_NC, _MM_B, 16), lambda i: (0, i, 0)),
            pl.BlockSpec((_MM_B, D), lambda i: (i, 0)),
            pl.BlockSpec((D, D), lambda i: (0, 0)),
        ],
        out_specs=[
            pl.BlockSpec((_MM_B, D), lambda i: (i, 0)),
            pl.BlockSpec((_MM_B, D), lambda i: (i, 0)),
        ],
        out_shape=[
            jax.ShapeDtypeStruct((N, D), jnp.float32),
            jax.ShapeDtypeStruct((N, D), jnp.float32),
        ],
    )(degp, x, W)


def _tc_layer(degp, parts, xw, b, W2):

    def body(dp_ref, p_ref, xw_ref, b_ref, w2_ref, xw2_ref, xs2_ref):
        dis = _dis_block(dp_ref)
        h = dis * (p_ref[0] + p_ref[1]) + (dis * dis) * xw_ref[...] + b_ref[...]
        h = jnp.maximum(h, 0.0)
        xw2 = jnp.dot(h, w2_ref[...], preferred_element_type=jnp.float32)
        xw2_ref[...] = xw2
        xs2_ref[...] = xw2 * dis

    return pl.pallas_call(
        body,
        grid=(N // _MM_B,),
        in_specs=[
            pl.BlockSpec((_NC, _MM_B, 16), lambda i: (0, i, 0)),
            pl.BlockSpec((_NC, _MM_B, D), lambda i: (0, i, 0)),
            pl.BlockSpec((_MM_B, D), lambda i: (i, 0)),
            pl.BlockSpec((1, D), lambda i: (0, 0)),
            pl.BlockSpec((D, D), lambda i: (0, 0)),
        ],
        out_specs=[
            pl.BlockSpec((_MM_B, D), lambda i: (i, 0)),
            pl.BlockSpec((_MM_B, D), lambda i: (i, 0)),
        ],
        out_shape=[
            jax.ShapeDtypeStruct((N, D), jnp.float32),
            jax.ShapeDtypeStruct((N, D), jnp.float32),
        ],
    )(degp, parts, xw, b, W2)


def _tc_out(degp, parts, xw, b):
    def body(dp_ref, p_ref, xw_ref, b_ref, o_ref):
        dis = _dis_block(dp_ref)
        o_ref[...] = (dis * (p_ref[0] + p_ref[1])
                      + (dis * dis) * xw_ref[...] + b_ref[...])

    return pl.pallas_call(
        body,
        grid=(N // _MM_B,),
        in_specs=[
            pl.BlockSpec((_NC, _MM_B, 16), lambda i: (0, i, 0)),
            pl.BlockSpec((_NC, _MM_B, D), lambda i: (0, i, 0)),
            pl.BlockSpec((_MM_B, D), lambda i: (i, 0)),
            pl.BlockSpec((1, D), lambda i: (0, 0)),
        ],
        out_specs=pl.BlockSpec((_MM_B, D), lambda i: (i, 0)),
        out_shape=jax.ShapeDtypeStruct((N, D), jnp.float32),
    )(degp, parts, xw, b)


def kernel(x, edge_index, W1, b1, W2, b2):
    npad = _E_P - E
    src_a = jnp.concatenate(
        [edge_index[0], jnp.zeros((npad,), edge_index.dtype)]
    ).reshape(_NW, _NG, _GC, _C)
    dst_a = jnp.concatenate(
        [edge_index[1], jnp.full((npad,), N, edge_index.dtype)]
    ).reshape(_NW, _NG, _GC, _C)
    dst_d = edge_index[1].reshape(_NW, _NCHUNK, _C)

    degp = _sc_deg(dst_d).reshape(_NC, N, 16)
    xw1, xs1 = _tc_mm_scale(degp, x, W1)
    parts1 = _sc_agg(xs1, src_a, dst_a).reshape(_NC, N, D)
    xw2, xs2 = _tc_layer(degp, parts1, xw1, b1.reshape(1, D), W2)
    parts2 = _sc_agg(xs2, src_a, dst_a).reshape(_NC, N, D)
    return _tc_out(degp, parts2, xw2, b2.reshape(1, D))

# --- scband reference (transcript-rebuilt; emitter-appended) ---
"""Pipeline reference for scband-gcnencoder-42442866819845 (READ-ONLY COPY).

The authoritative reference and input builder live on the scoring server;
editing this copy changes nothing except your own understanding.
"""

import jax, jax.numpy as jnp
import numpy as np

N = 10000
E = 320000
D_IN = 128
D_OUT = 128


def setup_inputs(seed: int = 0) -> dict:
    key = jax.random.key(seed)
    k1, k2, k3, k4, k5, k6 = jax.random.split(key, 6)
    x = jax.random.normal(k1, (N, D_IN), dtype=jnp.float32)
    edge_index = jax.random.randint(k2, (2, E), 0, N, dtype=jnp.int32)
    W1 = jax.random.normal(k3, (D_IN, D_OUT), dtype=jnp.float32) * (1.0 / np.sqrt(D_IN))
    b1 = jnp.zeros((D_OUT,), dtype=jnp.float32)
    W2 = jax.random.normal(k4, (D_OUT, D_OUT), dtype=jnp.float32) * (1.0 / np.sqrt(D_OUT))
    b2 = jnp.zeros((D_OUT,), dtype=jnp.float32)
    return {"x": x, "edge_index": edge_index, "W1": W1, "b1": b1, "W2": W2, "b2": b2}


def _gcn_conv(x, src, dst, W, b, num_nodes):
    # GCNConv: x' = D^{-1/2} (A + I) D^{-1/2} (x W) + b
    xw = x @ W
    # degree computed on destination nodes (self-loops already included in src/dst)
    deg = jnp.zeros((num_nodes,), dtype=xw.dtype).at[dst].add(1.0)
    deg_inv_sqrt = jnp.where(deg > 0, jax.lax.rsqrt(deg), 0.0)
    norm = deg_inv_sqrt[src] * deg_inv_sqrt[dst]
    msg = jnp.take(xw, src, axis=0) * norm[:, None]
    out = jnp.zeros((num_nodes, xw.shape[1]), dtype=xw.dtype).at[dst].add(msg)
    return out + b


def reference(x, edge_index, W1, b1, W2, b2):
    num_nodes = x.shape[0]
    loop = jnp.arange(num_nodes, dtype=edge_index.dtype)
    src = jnp.concatenate([edge_index[0], loop])
    dst = jnp.concatenate([edge_index[1], loop])
    h = _gcn_conv(x, src, dst, W1, b1, num_nodes)
    h = jax.nn.relu(h)
    out = _gcn_conv(h, src, dst, W2, b2, num_nodes)
    return out

if __name__ == "__main__":
    import jax
    _d = setup_inputs()
    print(jax.jit(kernel)(*tuple(_d.values())))

</pallas_src>

<mosaic_0001>
#map = affine_map<(d0, d1) -> (0, 0)>
#map1 = affine_map<(d0, d1) -> (0, 0, 0, 0)>
module attributes {stable_mosaic.version = 14 : i64} {
  func.func @_sc_agg(%arg0: i32, %arg1: i32, %arg2: memref<10000x128xf32, #tpu.memory_space<hbm>>, %arg3: memref<32x2x64x80xi32, #tpu.memory_space<hbm>>, %arg4: memref<32x2x64x80xi32, #tpu.memory_space<hbm>>, %arg5: memref<20000x128xf32, #tpu.memory_space<hbm>>, %arg6: memref<64x80xi32, #tpu.memory_space<vmem>>, %arg7: memref<64x80xi32, #tpu.memory_space<vmem>>, %arg8: memref<80x128xf32, #tpu.memory_space<vmem>>, %arg9: memref<80x128xf32, #tpu.memory_space<vmem>>, %arg10: memref<10080x128xf32, #tpu.memory_space<vmem_shared>>, %arg11: memref<!tpu.dma_semaphore, #tpu.memory_space<semaphore_mem>>) attributes {dimension_semantics = [#tpu.dimension_semantics<core_parallel>, #tpu.dimension_semantics<subcore_parallel>], iteration_bounds = array<i64: 2, 16>, scalar_prefetch = 0 : i64, scratch_operands = 6 : i64, tpu.core_type = #tpu.core_type<sc_vector_subcore>, window_params = [{transform_indices = #map}, {transform_indices = #map1}, {transform_indices = #map1}, {transform_indices = #map}]} {
    %mul3A = arith.constant 2 : i32
    %mul3A_0 = arith.muli %arg1, %mul3A : i32
    %add3A = arith.addi %mul3A_0, %arg0 : i32
    %scan3A = arith.constant 0 : i32
    %scan3A_1 = arith.constant 80 : i32
    %scan3A_2 = arith.addi %scan3A, %scan3A_1 : i32
    %scan3A_3 = arith.constant 1 : i32
    scf.for %scan3A_29 = %scan3A to %scan3A_2 step %scan3A_3  : i32 {
      %mul3A_30 = arith.constant 1 : i32
      %mul3A_31 = arith.muli %scan3A_29, %mul3A_30 : i32
      %add3A_32 = arith.constant 0 : i32
      %add3A_33 = arith.addi %add3A_32, %mul3A_31 : i32
      %scan3A_34 = arith.constant 0 : i32
      %scan3A_35 = arith.constant 8 : i32
      %scan3A_36 = arith.addi %scan3A_34, %scan3A_35 : i32
      %scan3A_37 = arith.constant 1 : i32
      scf.for %scan3A_39 = %scan3A_34 to %scan3A_36 step %scan3A_37  : i32 {
        %mul3A_40 = arith.constant 16 : i32
        %mul3A_41 = arith.muli %scan3A_39, %mul3A_40 : i32
        %add3A_42 = arith.constant 0 : i32
        %add3A_43 = arith.addi %add3A_42, %mul3A_41 : i32
        %broadcast_in_dim3A = arith.constant 0.000000e+00 : f32
        %broadcast_in_dim3A_44 = vector.broadcast %broadcast_in_dim3A : f32 to vector<16xf32>
        %swap3A = arith.index_cast %add3A_33 : i32 to index
        %swap3A_45 = arith.index_cast %add3A_43 : i32 to index
        %swap3A_46 = tpu.vector_load %arg8[%swap3A, %swap3A_45] {strides = array<i32>} : memref<80x128xf32, #tpu.memory_space<vmem>>, vector<1x16xf32>,
        %swap3A_47 = vector.shape_cast %swap3A_46 : vector<1x16xf32> to vector<16xf32>
        %swap3A_48 = vector.shape_cast %broadcast_in_dim3A_44 : vector<16xf32> to vector<1x16xf32>
        tpu.vector_store %arg8[%swap3A, %swap3A_45], %swap3A_48 {strides = array<i32>} : memref<80x128xf32, #tpu.memory_space<vmem>>, vector<1x16xf32>,
      }
      %scan3A_38 = arith.constant 8 : i32
    }
    %scan3A_4 = arith.constant 80 : i32
    %scan3A_5 = arith.constant 0 : i32
    %scan3A_6 = arith.constant 8 : i32
    %scan3A_7 = arith.addi %scan3A_5, %scan3A_6 : i32
    %scan3A_8 = arith.constant 1 : i32
    scf.for %scan3A_29 = %scan3A_5 to %scan3A_7 step %scan3A_8  : i32 {
      %mul3A_30 = arith.constant 1 : i32
      %mul3A_31 = arith.muli %scan3A_29, %mul3A_30 : i32
      %add3A_32 = arith.constant 0 : i32
      %add3A_33 = arith.addi %add3A_32, %mul3A_31 : i32
      %mul3A_34 = arith.constant 16 : i32
      %mul3A_35 = arith.muli %add3A_33, %mul3A_34 : i32
      %add3A_36 = arith.addi %arg1, %mul3A_35 : i32
      %lt3A = arith.constant 126 : i32
      %lt3A_37 = arith.cmpi slt, %add3A_36, %lt3A : i32
      %convert_element_type3A = arith.extui %lt3A_37 : i1 to i32
      %cond3A = arith.constant 0 : i32
      %cond3A_38 = arith.cmpi ne, %convert_element_type3A, %cond3A : i32
      scf.if %cond3A_38 {
        %mul3A_39 = arith.constant 80 : i32
        %mul3A_40 = arith.muli %add3A_36, %mul3A_39 : i32
        "tpu.region"() ({
          %run_scoped3A_41 = tpu.sem_alloc : memref<!tpu.dma_semaphore, #tpu.memory_space<semaphore_mem>>
          %dma_start3A = arith.constant 0 : i32
          %dma_start3A_42 = tpu.memref_slice %arg10[%mul3A_40, %dma_start3A] : memref<10080x128xf32, #tpu.memory_space<vmem_shared>> -> memref<80x128xf32, #tpu.memory_space<vmem_shared>>
          %dma_start3A_43 = arith.constant 0 : i32
          %dma_start3A_44 = tpu.memref_slice %arg10[%mul3A_40, %dma_start3A_43] : memref<10080x128xf32, #tpu.memory_space<vmem_shared>> -> memref<80x128xf32, #tpu.memory_space<vmem_shared>>
          tpu.enqueue_dma source(%arg8 : memref<80x128xf32, #tpu.memory_space<vmem>>) target(%dma_start3A_44 : memref<80x128xf32, #tpu.memory_space<vmem_shared>>) target_semaphore(%run_scoped3A_41 : memref<!tpu.dma_semaphore, #tpu.memory_space<semaphore_mem>>)
          %dma_wait3A = arith.constant 0 : i32
          %dma_wait3A_45 = tpu.memref_slice %arg10[%mul3A_40, %dma_wait3A] : memref<10080x128xf32, #tpu.memory_space<vmem_shared>> -> memref<80x128xf32, #tpu.memory_space<vmem_shared>>
          %dma_wait3A_46 = arith.constant 0 : i32
          %dma_wait3A_47 = tpu.memref_slice %arg10[%mul3A_40, %dma_wait3A_46] : memref<10080x128xf32, #tpu.memory_space<vmem_shared>> -> memref<80x128xf32, #tpu.memory_space<vmem_shared>>
          tpu.wait_dma2 semaphore(%run_scoped3A_41 : memref<!tpu.dma_semaphore, #tpu.memory_space<semaphore_mem>>) src(%arg8 : memref<80x128xf32, #tpu.memory_space<vmem>>) dst(%dma_wait3A_47 : memref<80x128xf32, #tpu.memory_space<vmem_shared>>)
          tpu.yield
        }) : () -> ()
      } else {
      }
    }
    %scan3A_9 = arith.constant 8 : i32
    %barrier3A = arith.constant 0 : index
    tpu.barrier barrier_id(%barrier3A)
    %run_scoped3A = arith.constant 0 : i32
    "tpu.region"() ({
      %run_scoped3A_29 = tpu.sem_alloc : memref<!tpu.dma_semaphore, #tpu.memory_space<semaphore_mem>>
      %dma_start3A = arith.constant 0 : i32
      %dma_start3A_30 = arith.constant 0 : i32
      %dma_start3A_31 = tpu.memref_slice %arg3[%add3A, %run_scoped3A, %dma_start3A, %dma_start3A_30] : memref<32x2x64x80xi32, #tpu.memory_space<hbm>> -> memref<1x1x64x80xi32, #tpu.memory_space<hbm>>
      %dma_start3A_32 = tpu.memref_squeeze %dma_start3A_31 : memref<1x1x64x80xi32, #tpu.memory_space<hbm>> -> memref<64x80xi32, #tpu.memory_space<hbm>>
      %dma_start3A_33 = arith.constant 0 : i32
      %dma_start3A_34 = arith.constant 0 : i32
      %dma_start3A_35 = tpu.memref_slice %arg3[%add3A, %run_scoped3A, %dma_start3A_33, %dma_start3A_34] : memref<32x2x64x80xi32, #tpu.memory_space<hbm>> -> memref<1x1x64x80xi32, #tpu.memory_space<hbm>>
      %dma_start3A_36 = tpu.memref_squeeze %dma_start3A_35 : memref<1x1x64x80xi32, #tpu.memory_space<hbm>> -> memref<64x80xi32, #tpu.memory_space<hbm>>
      tpu.enqueue_dma source(%dma_start3A_36 : memref<64x80xi32, #tpu.memory_space<hbm>>) target(%arg6 : memref<64x80xi32, #tpu.memory_space<vmem>>) target_semaphore(%run_scoped3A_29 : memref<!tpu.dma_semaphore, #tpu.memory_space<semaphore_mem>>)
      %dma_wait3A = arith.constant 0 : i32
      %dma_wait3A_37 = arith.constant 0 : i32
      %dma_wait3A_38 = tpu.memref_slice %arg3[%add3A, %run_scoped3A, %dma_wait3A, %dma_wait3A_37] : memref<32x2x64x80xi32, #tpu.memory_space<hbm>> -> memref<1x1x64x80xi32, #tpu.memory_space<hbm>>
      %dma_wait3A_39 = tpu.memref_squeeze %dma_wait3A_38 : memref<1x1x64x80xi32, #tpu.memory_space<hbm>> -> memref<64x80xi32, #tpu.memory_space<hbm>>
      %dma_wait3A_40 = arith.constant 0 : i32
      %dma_wait3A_41 = arith.constant 0 : i32
      %dma_wait3A_42 = tpu.memref_slice %arg3[%add3A, %run_scoped3A, %dma_wait3A_40, %dma_wait3A_41] : memref<32x2x64x80xi32, #tpu.memory_space<hbm>> -> memref<1x1x64x80xi32, #tpu.memory_space<hbm>>
      %dma_wait3A_43 = tpu.memref_squeeze %dma_wait3A_42 : memref<1x1x64x80xi32, #tpu.memory_space<hbm>> -> memref<64x80xi32, #tpu.memory_space<hbm>>
      tpu.wait_dma2 semaphore(%run_scoped3A_29 : memref<!tpu.dma_semaphore, #tpu.memory_space<semaphore_mem>>) src(%dma_wait3A_43 : memref<64x80xi32, #tpu.memory_space<hbm>>) dst(%arg6 : memref<64x80xi32, #tpu.memory_space<vmem>>)
      tpu.yield
    }) : () -> ()
    %run_scoped3A_10 = arith.constant 0 : i32
    "tpu.region"() ({
      %run_scoped3A_29 = tpu.sem_alloc : memref<!tpu.dma_semaphore, #tpu.memory_space<semaphore_mem>>
      %dma_start3A = arith.constant 0 : i32
      %dma_start3A_30 = arith.constant 0 : i32
      %dma_start3A_31 = tpu.memref_slice %arg4[%add3A, %run_scoped3A_10, %dma_start3A, %dma_start3A_30] : memref<32x2x64x80xi32, #tpu.memory_space<hbm>> -> memref<1x1x64x80xi32, #tpu.memory_space<hbm>>
      %dma_start3A_32 = tpu.memref_squeeze %dma_start3A_31 : memref<1x1x64x80xi32, #tpu.memory_space<hbm>> -> memref<64x80xi32, #tpu.memory_space<hbm>>
      %dma_start3A_33 = arith.constant 0 : i32
      %dma_start3A_34 = arith.constant 0 : i32
      %dma_start3A_35 = tpu.memref_slice %arg4[%add3A, %run_scoped3A_10, %dma_start3A_33, %dma_start3A_34] : memref<32x2x64x80xi32, #tpu.memory_space<hbm>> -> memref<1x1x64x80xi32, #tpu.memory_space<hbm>>
      %dma_start3A_36 = tpu.memref_squeeze %dma_start3A_35 : memref<1x1x64x80xi32, #tpu.memory_space<hbm>> -> memref<64x80xi32, #tpu.memory_space<hbm>>
      tpu.enqueue_dma source(%dma_start3A_36 : memref<64x80xi32, #tpu.memory_space<hbm>>) target(%arg7 : memref<64x80xi32, #tpu.memory_space<vmem>>) target_semaphore(%run_scoped3A_29 : memref<!tpu.dma_semaphore, #tpu.memory_space<semaphore_mem>>)
      %dma_wait3A = arith.constant 0 : i32
      %dma_wait3A_37 = arith.constant 0 : i32
      %dma_wait3A_38 = tpu.memref_slice %arg4[%add3A, %run_scoped3A_10, %dma_wait3A, %dma_wait3A_37] : memref<32x2x64x80xi32, #tpu.memory_space<hbm>> -> memref<1x1x64x80xi32, #tpu.memory_space<hbm>>
      %dma_wait3A_39 = tpu.memref_squeeze %dma_wait3A_38 : memref<1x1x64x80xi32, #tpu.memory_space<hbm>> -> memref<64x80xi32, #tpu.memory_space<hbm>>
      %dma_wait3A_40 = arith.constant 0 : i32
      %dma_wait3A_41 = arith.constant 0 : i32
      %dma_wait3A_42 = tpu.memref_slice %arg4[%add3A, %run_scoped3A_10, %dma_wait3A_40, %dma_wait3A_41] : memref<32x2x64x80xi32, #tpu.memory_space<hbm>> -> memref<1x1x64x80xi32, #tpu.memory_space<hbm>>
      %dma_wait3A_43 = tpu.memref_squeeze %dma_wait3A_42 : memref<1x1x64x80xi32, #tpu.memory_space<hbm>> -> memref<64x80xi32, #tpu.memory_space<hbm>>
      tpu.wait_dma2 semaphore(%run_scoped3A_29 : memref<!tpu.dma_semaphore, #tpu.memory_space<semaphore_mem>>) src(%dma_wait3A_43 : memref<64x80xi32, #tpu.memory_space<hbm>>) dst(%arg7 : memref<64x80xi32, #tpu.memory_space<vmem>>)
      tpu.yield
    }) : () -> ()
    %scan3A_11 = arith.constant 0 : i32
    %scan3A_12 = arith.constant 64 : i32
    %scan3A_13 = arith.addi %scan3A_11, %scan3A_12 : i32
    %scan3A_14 = arith.constant 1 : i32
    scf.for %scan3A_29 = %scan3A_11 to %scan3A_13 step %scan3A_14  : i32 {
      %mul3A_30 = arith.constant 1 : i32
      %mul3A_31 = arith.muli %scan3A_29, %mul3A_30 : i32
      %add3A_32 = arith.constant 0 : i32
      %add3A_33 = arith.addi %add3A_32, %mul3A_31 : i32
      %dma_start3A = arith.constant 0 : i32
      %dma_start3A_34 = tpu.memref_slice %arg6[%add3A_33, %dma_start3A] : memref<64x80xi32, #tpu.memory_space<vmem>> -> memref<1x80xi32, #tpu.memory_space<vmem>>
      %dma_start3A_35 = tpu.memref_squeeze %dma_start3A_34 : memref<1x80xi32, #tpu.memory_space<vmem>> -> memref<80xi32, #tpu.memory_space<vmem>>
      %dma_start3A_36 = arith.constant 0 : i32
      %dma_start3A_37 = arith.constant 0 : i32
      %dma_start3A_38 = tpu.memref_slice %arg2[%dma_start3A_36, %dma_start3A_37] : memref<10000x128xf32, #tpu.memory_space<hbm>> -> memref<10000x128xf32, #tpu.memory_space<hbm>>
      tpu.enqueue_indirect_dma source(%dma_start3A_38 : memref<10000x128xf32, #tpu.memory_space<hbm>>) target(%arg8 : memref<80x128xf32, #tpu.memory_space<vmem>>) offsets(%dma_start3A_35 : memref<80xi32, #tpu.memory_space<vmem>>) semaphore(%arg11 : memref<!tpu.dma_semaphore, #tpu.memory_space<semaphore_mem>>)
      %dma_wait3A = arith.constant 0 : i32
      %dma_wait3A_39 = tpu.memref_slice %arg6[%add3A_33, %dma_wait3A] : memref<64x80xi32, #tpu.memory_space<vmem>> -> memref<1x80xi32, #tpu.memory_space<vmem>>
      %dma_wait3A_40 = tpu.memref_squeeze %dma_wait3A_39 : memref<1x80xi32, #tpu.memory_space<vmem>> -> memref<80xi32, #tpu.memory_space<vmem>>
      %dma_wait3A_41 = arith.constant 0 : i32
      %dma_wait3A_42 = arith.constant 0 : i32
      %dma_wait3A_43 = tpu.memref_slice %arg2[%dma_wait3A_41, %dma_wait3A_42] : memref<10000x128xf32, #tpu.memory_space<hbm>> -> memref<10000x128xf32, #tpu.memory_space<hbm>>
      tpu.wait_indirect_dma semaphore(%arg11 : memref<!tpu.dma_semaphore, #tpu.memory_space<semaphore_mem>>) src(%dma_wait3A_43 : memref<10000x128xf32, #tpu.memory_space<hbm>>) dst(%arg8 : memref<80x128xf32, #tpu.memory_space<vmem>>)
      "tpu.region"() ({
        %run_scoped3A_44 = tpu.sem_alloc : memref<!tpu.dma_semaphore, #tpu.memory_space<semaphore_mem>>
        %dma_start3A_45 = arith.constant 0 : i32
        %dma_start3A_46 = tpu.memref_slice %arg7[%add3A_33, %dma_start3A_45] : memref<64x80xi32, #tpu.memory_space<vmem>> -> memref<1x80xi32, #tpu.memory_space<vmem>>
        %dma_start3A_47 = tpu.memref_squeeze %dma_start3A_46 : memref<1x80xi32, #tpu.memory_space<vmem>> -> memref<80xi32, #tpu.memory_space<vmem>>
        %dma_start3A_48 = arith.constant 0 : i32
        %dma_start3A_49 = arith.constant 0 : i32
        %dma_start3A_50 = tpu.memref_slice %arg10[%dma_start3A_48, %dma_start3A_49] : memref<10080x128xf32, #tpu.memory_space<vmem_shared>> -> memref<10080x128xf32, #tpu.memory_space<vmem_shared>>
        tpu.enqueue_indirect_dma source(%arg8 : memref<80x128xf32, #tpu.memory_space<vmem>>) target(%dma_start3A_50 : memref<10080x128xf32, #tpu.memory_space<vmem_shared>>) offsets(%dma_start3A_47 : memref<80xi32, #tpu.memory_space<vmem>>) semaphore(%run_scoped3A_44 : memref<!tpu.dma_semaphore, #tpu.memory_space<semaphore_mem>>) {add = true}
        %dma_wait3A_51 = arith.constant 0 : i32
        %dma_wait3A_52 = tpu.memref_slice %arg7[%add3A_33, %dma_wait3A_51] : memref<64x80xi32, #tpu.memory_space<vmem>> -> memref<1x80xi32, #tpu.memory_space<vmem>>
        %dma_wait3A_53 = tpu.memref_squeeze %dma_wait3A_52 : memref<1x80xi32, #tpu.memory_space<vmem>> -> memref<80xi32, #tpu.memory_space<vmem>>
        %dma_wait3A_54 = arith.constant 0 : i32
        %dma_wait3A_55 = arith.constant 0 : i32
        %dma_wait3A_56 = tpu.memref_slice %arg10[%dma_wait3A_54, %dma_wait3A_55] : memref<10080x128xf32, #tpu.memory_space<vmem_shared>> -> memref<10080x128xf32, #tpu.memory_space<vmem_shared>>
        tpu.wait_indirect_dma semaphore(%run_scoped3A_44 : memref<!tpu.dma_semaphore, #tpu.memory_space<semaphore_mem>>) src(%arg8 : memref<80x128xf32, #tpu.memory_space<vmem>>) dst(%dma_wait3A_56 : memref<10080x128xf32, #tpu.memory_space<vmem_shared>>)
        tpu.yield
      }) : () -> ()
    }
    %scan3A_15 = arith.constant 64 : i32
    %run_scoped3A_16 = arith.constant 1 : i32
    "tpu.region"() ({
      %run_scoped3A_29 = tpu.sem_alloc : memref<!tpu.dma_semaphore, #tpu.memory_space<semaphore_mem>>
      %dma_start3A = arith.constant 0 : i32
      %dma_start3A_30 = arith.constant 0 : i32
      %dma_start3A_31 = tpu.memref_slice %arg3[%add3A, %run_scoped3A_16, %dma_start3A, %dma_start3A_30] : memref<32x2x64x80xi32, #tpu.memory_space<hbm>> -> memref<1x1x64x80xi32, #tpu.memory_space<hbm>>
      %dma_start3A_32 = tpu.memref_squeeze %dma_start3A_31 : memref<1x1x64x80xi32, #tpu.memory_space<hbm>> -> memref<64x80xi32, #tpu.memory_space<hbm>>
      %dma_start3A_33 = arith.constant 0 : i32
      %dma_start3A_34 = arith.constant 0 : i32
      %dma_start3A_35 = tpu.memref_slice %arg3[%add3A, %run_scoped3A_16, %dma_start3A_33, %dma_start3A_34] : memref<32x2x64x80xi32, #tpu.memory_space<hbm>> -> memref<1x1x64x80xi32, #tpu.memory_space<hbm>>
      %dma_start3A_36 = tpu.memref_squeeze %dma_start3A_35 : memref<1x1x64x80xi32, #tpu.memory_space<hbm>> -> memref<64x80xi32, #tpu.memory_space<hbm>>
      tpu.enqueue_dma source(%dma_start3A_36 : memref<64x80xi32, #tpu.memory_space<hbm>>) target(%arg6 : memref<64x80xi32, #tpu.memory_space<vmem>>) target_semaphore(%run_scoped3A_29 : memref<!tpu.dma_semaphore, #tpu.memory_space<semaphore_mem>>)
      %dma_wait3A = arith.constant 0 : i32
      %dma_wait3A_37 = arith.constant 0 : i32
      %dma_wait3A_38 = tpu.memref_slice %arg3[%add3A, %run_scoped3A_16, %dma_wait3A, %dma_wait3A_37] : memref<32x2x64x80xi32, #tpu.memory_space<hbm>> -> memref<1x1x64x80xi32, #tpu.memory_space<hbm>>
      %dma_wait3A_39 = tpu.memref_squeeze %dma_wait3A_38 : memref<1x1x64x80xi32, #tpu.memory_space<hbm>> -> memref<64x80xi32, #tpu.memory_space<hbm>>
      %dma_wait3A_40 = arith.constant 0 : i32
      %dma_wait3A_41 = arith.constant 0 : i32
      %dma_wait3A_42 = tpu.memref_slice %arg3[%add3A, %run_scoped3A_16, %dma_wait3A_40, %dma_wait3A_41] : memref<32x2x64x80xi32, #tpu.memory_space<hbm>> -> memref<1x1x64x80xi32, #tpu.memory_space<hbm>>
      %dma_wait3A_43 = tpu.memref_squeeze %dma_wait3A_42 : memref<1x1x64x80xi32, #tpu.memory_space<hbm>> -> memref<64x80xi32, #tpu.memory_space<hbm>>
      tpu.wait_dma2 semaphore(%run_scoped3A_29 : memref<!tpu.dma_semaphore, #tpu.memory_space<semaphore_mem>>) src(%dma_wait3A_43 : memref<64x80xi32, #tpu.memory_space<hbm>>) dst(%arg6 : memref<64x80xi32, #tpu.memory_space<vmem>>)
      tpu.yield
    }) : () -> ()
    %run_scoped3A_17 = arith.constant 1 : i32
    "tpu.region"() ({
      %run_scoped3A_29 = tpu.sem_alloc : memref<!tpu.dma_semaphore, #tpu.memory_space<semaphore_mem>>
      %dma_start3A = arith.constant 0 : i32
      %dma_start3A_30 = arith.constant 0 : i32
      %dma_start3A_31 = tpu.memref_slice %arg4[%add3A, %run_scoped3A_17, %dma_start3A, %dma_start3A_30] : memref<32x2x64x80xi32, #tpu.memory_space<hbm>> -> memref<1x1x64x80xi32, #tpu.memory_space<hbm>>
      %dma_start3A_32 = tpu.memref_squeeze %dma_start3A_31 : memref<1x1x64x80xi32, #tpu.memory_space<hbm>> -> memref<64x80xi32, #tpu.memory_space<hbm>>
      %dma_start3A_33 = arith.constant 0 : i32
      %dma_start3A_34 = arith.constant 0 : i32
      %dma_start3A_35 = tpu.memref_slice %arg4[%add3A, %run_scoped3A_17, %dma_start3A_33, %dma_start3A_34] : memref<32x2x64x80xi32, #tpu.memory_space<hbm>> -> memref<1x1x64x80xi32, #tpu.memory_space<hbm>>
      %dma_start3A_36 = tpu.memref_squeeze %dma_start3A_35 : memref<1x1x64x80xi32, #tpu.memory_space<hbm>> -> memref<64x80xi32, #tpu.memory_space<hbm>>
      tpu.enqueue_dma source(%dma_start3A_36 : memref<64x80xi32, #tpu.memory_space<hbm>>) target(%arg7 : memref<64x80xi32, #tpu.memory_space<vmem>>) target_semaphore(%run_scoped3A_29 : memref<!tpu.dma_semaphore, #tpu.memory_space<semaphore_mem>>)
      %dma_wait3A = arith.constant 0 : i32
      %dma_wait3A_37 = arith.constant 0 : i32
      %dma_wait3A_38 = tpu.memref_slice %arg4[%add3A, %run_scoped3A_17, %dma_wait3A, %dma_wait3A_37] : memref<32x2x64x80xi32, #tpu.memory_space<hbm>> -> memref<1x1x64x80xi32, #tpu.memory_space<hbm>>
      %dma_wait3A_39 = tpu.memref_squeeze %dma_wait3A_38 : memref<1x1x64x80xi32, #tpu.memory_space<hbm>> -> memref<64x80xi32, #tpu.memory_space<hbm>>
      %dma_wait3A_40 = arith.constant 0 : i32
      %dma_wait3A_41 = arith.constant 0 : i32
      %dma_wait3A_42 = tpu.memref_slice %arg4[%add3A, %run_scoped3A_17, %dma_wait3A_40, %dma_wait3A_41] : memref<32x2x64x80xi32, #tpu.memory_space<hbm>> -> memref<1x1x64x80xi32, #tpu.memory_space<hbm>>
      %dma_wait3A_43 = tpu.memref_squeeze %dma_wait3A_42 : memref<1x1x64x80xi32, #tpu.memory_space<hbm>> -> memref<64x80xi32, #tpu.memory_space<hbm>>
      tpu.wait_dma2 semaphore(%run_scoped3A_29 : memref<!tpu.dma_semaphore, #tpu.memory_space<semaphore_mem>>) src(%dma_wait3A_43 : memref<64x80xi32, #tpu.memory_space<hbm>>) dst(%arg7 : memref<64x80xi32, #tpu.memory_space<vmem>>)
      tpu.yield
    }) : () -> ()
    %scan3A_18 = arith.constant 0 : i32
    %scan3A_19 = arith.constant 64 : i32
    %scan3A_20 = arith.addi %scan3A_18, %scan3A_19 : i32
    %scan3A_21 = arith.constant 1 : i32
    scf.for %scan3A_29 = %scan3A_18 to %scan3A_20 step %scan3A_21  : i32 {
      %mul3A_30 = arith.constant 1 : i32
      %mul3A_31 = arith.muli %scan3A_29, %mul3A_30 : i32
      %add3A_32 = arith.constant 0 : i32
      %add3A_33 = arith.addi %add3A_32, %mul3A_31 : i32
      %dma_start3A = arith.constant 0 : i32
      %dma_start3A_34 = tpu.memref_slice %arg6[%add3A_33, %dma_start3A] : memref<64x80xi32, #tpu.memory_space<vmem>> -> memref<1x80xi32, #tpu.memory_space<vmem>>
      %dma_start3A_35 = tpu.memref_squeeze %dma_start3A_34 : memref<1x80xi32, #tpu.memory_space<vmem>> -> memref<80xi32, #tpu.memory_space<vmem>>
      %dma_start3A_36 = arith.constant 0 : i32
      %dma_start3A_37 = arith.constant 0 : i32
      %dma_start3A_38 = tpu.memref_slice %arg2[%dma_start3A_36, %dma_start3A_37] : memref<10000x128xf32, #tpu.memory_space<hbm>> -> memref<10000x128xf32, #tpu.memory_space<hbm>>
      tpu.enqueue_indirect_dma source(%dma_start3A_38 : memref<10000x128xf32, #tpu.memory_space<hbm>>) target(%arg8 : memref<80x128xf32, #tpu.memory_space<vmem>>) offsets(%dma_start3A_35 : memref<80xi32, #tpu.memory_space<vmem>>) semaphore(%arg11 : memref<!tpu.dma_semaphore, #tpu.memory_space<semaphore_mem>>)
      %dma_wait3A = arith.constant 0 : i32
      %dma_wait3A_39 = tpu.memref_slice %arg6[%add3A_33, %dma_wait3A] : memref<64x80xi32, #tpu.memory_space<vmem>> -> memref<1x80xi32, #tpu.memory_space<vmem>>
      %dma_wait3A_40 = tpu.memref_squeeze %dma_wait3A_39 : memref<1x80xi32, #tpu.memory_space<vmem>> -> memref<80xi32, #tpu.memory_space<vmem>>
      %dma_wait3A_41 = arith.constant 0 : i32
      %dma_wait3A_42 = arith.constant 0 : i32
      %dma_wait3A_43 = tpu.memref_slice %arg2[%dma_wait3A_41, %dma_wait3A_42] : memref<10000x128xf32, #tpu.memory_space<hbm>> -> memref<10000x128xf32, #tpu.memory_space<hbm>>
      tpu.wait_indirect_dma semaphore(%arg11 : memref<!tpu.dma_semaphore, #tpu.memory_space<semaphore_mem>>) src(%dma_wait3A_43 : memref<10000x128xf32, #tpu.memory_space<hbm>>) dst(%arg8 : memref<80x128xf32, #tpu.memory_space<vmem>>)
      "tpu.region"() ({
        %run_scoped3A_44 = tpu.sem_alloc : memref<!tpu.dma_semaphore, #tpu.memory_space<semaphore_mem>>
        %dma_start3A_45 = arith.constant 0 : i32
        %dma_start3A_46 = tpu.memref_slice %arg7[%add3A_33, %dma_start3A_45] : memref<64x80xi32, #tpu.memory_space<vmem>> -> memref<1x80xi32, #tpu.memory_space<vmem>>
        %dma_start3A_47 = tpu.memref_squeeze %dma_start3A_46 : memref<1x80xi32, #tpu.memory_space<vmem>> -> memref<80xi32, #tpu.memory_space<vmem>>
        %dma_start3A_48 = arith.constant 0 : i32
        %dma_start3A_49 = arith.constant 0 : i32
        %dma_start3A_50 = tpu.memref_slice %arg10[%dma_start3A_48, %dma_start3A_49] : memref<10080x128xf32, #tpu.memory_space<vmem_shared>> -> memref<10080x128xf32, #tpu.memory_space<vmem_shared>>
        tpu.enqueue_indirect_dma source(%arg8 : memref<80x128xf32, #tpu.memory_space<vmem>>) target(%dma_start3A_50 : memref<10080x128xf32, #tpu.memory_space<vmem_shared>>) offsets(%dma_start3A_47 : memref<80xi32, #tpu.memory_space<vmem>>) semaphore(%run_scoped3A_44 : memref<!tpu.dma_semaphore, #tpu.memory_space<semaphore_mem>>) {add = true}
        %dma_wait3A_51 = arith.constant 0 : i32
        %dma_wait3A_52 = tpu.memref_slice %arg7[%add3A_33, %dma_wait3A_51] : memref<64x80xi32, #tpu.memory_space<vmem>> -> memref<1x80xi32, #tpu.memory_space<vmem>>
        %dma_wait3A_53 = tpu.memref_squeeze %dma_wait3A_52 : memref<1x80xi32, #tpu.memory_space<vmem>> -> memref<80xi32, #tpu.memory_space<vmem>>
        %dma_wait3A_54 = arith.constant 0 : i32
        %dma_wait3A_55 = arith.constant 0 : i32
        %dma_wait3A_56 = tpu.memref_slice %arg10[%dma_wait3A_54, %dma_wait3A_55] : memref<10080x128xf32, #tpu.memory_space<vmem_shared>> -> memref<10080x128xf32, #tpu.memory_space<vmem_shared>>
        tpu.wait_indirect_dma semaphore(%run_scoped3A_44 : memref<!tpu.dma_semaphore, #tpu.memory_space<semaphore_mem>>) src(%arg8 : memref<80x128xf32, #tpu.memory_space<vmem>>) dst(%dma_wait3A_56 : memref<10080x128xf32, #tpu.memory_space<vmem_shared>>)
        tpu.yield
      }) : () -> ()
    }
    %scan3A_22 = arith.constant 64 : i32
    %barrier3A_23 = arith.constant 0 : index
    tpu.barrier barrier_id(%barrier3A_23)
    %scan3A_24 = arith.constant 0 : i32
    %scan3A_25 = arith.constant 8 : i32
    %scan3A_26 = arith.addi %scan3A_24, %scan3A_25 : i32
    %scan3A_27 = arith.constant 1 : i32
    scf.for %scan3A_29 = %scan3A_24 to %scan3A_26 step %scan3A_27  : i32 {
      %mul3A_30 = arith.constant 1 : i32
      %mul3A_31 = arith.muli %scan3A_29, %mul3A_30 : i32
      %add3A_32 = arith.constant 0 : i32
      %add3A_33 = arith.addi %add3A_32, %mul3A_31 : i32
      %mul3A_34 = arith.constant 16 : i32
      %mul3A_35 = arith.muli %add3A_33, %mul3A_34 : i32
      %add3A_36 = arith.addi %arg1, %mul3A_35 : i32
      %lt3A = arith.constant 125 : i32
      %lt3A_37 = arith.cmpi slt, %add3A_36, %lt3A : i32
      %convert_element_type3A = arith.extui %lt3A_37 : i1 to i32
      %cond3A = arith.constant 0 : i32
      %cond3A_38 = arith.cmpi ne, %convert_element_type3A, %cond3A : i32
      scf.if %cond3A_38 {
        %mul3A_39 = arith.constant 80 : i32
        %mul3A_40 = arith.muli %add3A_36, %mul3A_39 : i32
        %mul3A_41 = arith.constant 10000 : i32
        %mul3A_42 = arith.muli %arg0, %mul3A_41 : i32
        %mul3A_43 = arith.constant 80 : i32
        %mul3A_44 = arith.muli %add3A_36, %mul3A_43 : i32
        %add3A_45 = arith.addi %mul3A_42, %mul3A_44 : i32
        "tpu.region"() ({
          %run_scoped3A_46 = tpu.sem_alloc : memref<!tpu.dma_semaphore, #tpu.memory_space<semaphore_mem>>
          %dma_start3A = arith.constant 0 : i32
          %dma_start3A_47 = tpu.memref_slice %arg5[%add3A_45, %dma_start3A] : memref<20000x128xf32, #tpu.memory_space<hbm>> -> memref<80x128xf32, #tpu.memory_space<hbm>>
          %dma_start3A_48 = arith.constant 0 : i32
          %dma_start3A_49 = tpu.memref_slice %arg10[%mul3A_40, %dma_start3A_48] : memref<10080x128xf32, #tpu.memory_space<vmem_shared>> -> memref<80x128xf32, #tpu.memory_space<vmem_shared>>
          tpu.enqueue_dma source(%dma_start3A_49 : memref<80x128xf32, #tpu.memory_space<vmem_shared>>) target(%dma_start3A_47 : memref<80x128xf32, #tpu.memory_space<hbm>>) target_semaphore(%run_scoped3A_46 : memref<!tpu.dma_semaphore, #tpu.memory_space<semaphore_mem>>)
          %dma_wait3A = arith.constant 0 : i32
          %dma_wait3A_50 = tpu.memref_slice %arg5[%add3A_45, %dma_wait3A] : memref<20000x128xf32, #tpu.memory_space<hbm>> -> memref<80x128xf32, #tpu.memory_space<hbm>>
          %dma_wait3A_51 = arith.constant 0 : i32
          %dma_wait3A_52 = tpu.memref_slice %arg10[%mul3A_40, %dma_wait3A_51] : memref<10080x128xf32, #tpu.memory_space<vmem_shared>> -> memref<80x128xf32, #tpu.memory_space<vmem_shared>>
          tpu.wait_dma2 semaphore(%run_scoped3A_46 : memref<!tpu.dma_semaphore, #tpu.memory_space<semaphore_mem>>) src(%dma_wait3A_52 : memref<80x128xf32, #tpu.memory_space<vmem_shared>>) dst(%dma_wait3A_50 : memref<80x128xf32, #tpu.memory_space<hbm>>)
          tpu.yield
        }) : () -> ()
      } else {
      }
    }
    %scan3A_28 = arith.constant 8 : i32
    return
  }
}

#map = affine_map<(d0, d1) -> (0, 0, 0)>
#map1 = affine_map<(d0, d1) -> (0, 0)>
module attributes {stable_mosaic.version = 14 : i64} {
  func.func @_sc_deg(%arg0: i32, %arg1: i32, %arg2: memref<32x125x80xi32, #tpu.memory_space<hbm>>, %arg3: memref<20000x16xf32, #tpu.memory_space<hbm>>, %arg4: memref<125x80xi32, #tpu.memory_space<vmem>>, %arg5: memref<80x16xf32, #tpu.memory_space<vmem>>, %arg6: memref<80x16xf32, #tpu.memory_space<vmem>>, %arg7: memref<10000x16xf32, #tpu.memory_space<vmem_shared>>) attributes {dimension_semantics = [#tpu.dimension_semantics<core_parallel>, #tpu.dimension_semantics<subcore_parallel>], iteration_bounds = array<i64: 2, 16>, scalar_prefetch = 0 : i64, scratch_operands = 4 : i64, tpu.core_type = #tpu.core_type<sc_vector_subcore>, window_params = [{transform_indices = #map}, {transform_indices = #map1}]} {
    %mul3A = arith.constant 2 : i32
    %mul3A_0 = arith.muli %arg1, %mul3A : i32
    %add3A = arith.addi %mul3A_0, %arg0 : i32
    %scan3A = arith.constant 0 : i32
    %scan3A_1 = arith.constant 80 : i32
    %scan3A_2 = arith.addi %scan3A, %scan3A_1 : i32
    %scan3A_3 = arith.constant 1 : i32
    scf.for %scan3A_26 = %scan3A to %scan3A_2 step %scan3A_3  : i32 {
      %mul3A_27 = arith.constant 1 : i32
      %mul3A_28 = arith.muli %scan3A_26, %mul3A_27 : i32
      %add3A_29 = arith.constant 0 : i32
      %add3A_30 = arith.addi %add3A_29, %mul3A_28 : i32
      %broadcast_in_dim3A = arith.constant 1.000000e+00 : f32
      %broadcast_in_dim3A_31 = vector.broadcast %broadcast_in_dim3A : f32 to vector<16xf32>
      %swap3A = arith.index_cast %add3A_30 : i32 to index
      %swap3A_32 = arith.constant 0 : index
      %swap3A_33 = tpu.vector_load %arg5[%swap3A, %swap3A_32] {strides = array<i32>} : memref<80x16xf32, #tpu.memory_space<vmem>>, vector<1x16xf32>,
      %swap3A_34 = vector.shape_cast %swap3A_33 : vector<1x16xf32> to vector<16xf32>
      %swap3A_35 = vector.shape_cast %broadcast_in_dim3A_31 : vector<16xf32> to vector<1x16xf32>
      tpu.vector_store %arg5[%swap3A, %swap3A_32], %swap3A_35 {strides = array<i32>} : memref<80x16xf32, #tpu.memory_space<vmem>>, vector<1x16xf32>,
    }
    %scan3A_4 = arith.constant 80 : i32
    %scan3A_5 = arith.constant 0 : i32
    %scan3A_6 = arith.constant 80 : i32
    %scan3A_7 = arith.addi %scan3A_5, %scan3A_6 : i32
    %scan3A_8 = arith.constant 1 : i32
    scf.for %scan3A_26 = %scan3A_5 to %scan3A_7 step %scan3A_8  : i32 {
      %mul3A_27 = arith.constant 1 : i32
      %mul3A_28 = arith.muli %scan3A_26, %mul3A_27 : i32
      %add3A_29 = arith.constant 0 : i32
      %add3A_30 = arith.addi %add3A_29, %mul3A_28 : i32
      %broadcast_in_dim3A = arith.constant 0.000000e+00 : f32
      %broadcast_in_dim3A_31 = vector.broadcast %broadcast_in_dim3A : f32 to vector<16xf32>
      %swap3A = arith.index_cast %add3A_30 : i32 to index
      %swap3A_32 = arith.constant 0 : index
      %swap3A_33 = tpu.vector_load %arg6[%swap3A, %swap3A_32] {strides = array<i32>} : memref<80x16xf32, #tpu.memory_space<vmem>>, vector<1x16xf32>,
      %swap3A_34 = vector.shape_cast %swap3A_33 : vector<1x16xf32> to vector<16xf32>
      %swap3A_35 = vector.shape_cast %broadcast_in_dim3A_31 : vector<16xf32> to vector<1x16xf32>
      tpu.vector_store %arg6[%swap3A, %swap3A_32], %swap3A_35 {strides = array<i32>} : memref<80x16xf32, #tpu.memory_space<vmem>>, vector<1x16xf32>,
    }
    %scan3A_9 = arith.constant 80 : i32
    %scan3A_10 = arith.constant 0 : i32
    %scan3A_11 = arith.constant 8 : i32
    %scan3A_12 = arith.addi %scan3A_10, %scan3A_11 : i32
    %scan3A_13 = arith.constant 1 : i32
    scf.for %scan3A_26 = %scan3A_10 to %scan3A_12 step %scan3A_13  : i32 {
      %mul3A_27 = arith.constant 1 : i32
      %mul3A_28 = arith.muli %scan3A_26, %mul3A_27 : i32
      %add3A_29 = arith.constant 0 : i32
      %add3A_30 = arith.addi %add3A_29, %mul3A_28 : i32
      %mul3A_31 = arith.constant 16 : i32
      %mul3A_32 = arith.muli %add3A_30, %mul3A_31 : i32
      %add3A_33 = arith.addi %arg1, %mul3A_32 : i32
      %lt3A = arith.constant 125 : i32
      %lt3A_34 = arith.cmpi slt, %add3A_33, %lt3A : i32
      %convert_element_type3A = arith.extui %lt3A_34 : i1 to i32
      %cond3A = arith.constant 0 : i32
      %cond3A_35 = arith.cmpi ne, %convert_element_type3A, %cond3A : i32
      scf.if %cond3A_35 {
        %mul3A_36 = arith.constant 80 : i32
        %mul3A_37 = arith.muli %add3A_33, %mul3A_36 : i32
        "tpu.region"() ({
          %run_scoped3A = tpu.sem_alloc : memref<!tpu.dma_semaphore, #tpu.memory_space<semaphore_mem>>
          %dma_start3A = arith.constant 0 : i32
          %dma_start3A_38 = tpu.memref_slice %arg7[%mul3A_37, %dma_start3A] : memref<10000x16xf32, #tpu.memory_space<vmem_shared>> -> memref<80x16xf32, #tpu.memory_space<vmem_shared>>
          %dma_start3A_39 = arith.constant 0 : i32
          %dma_start3A_40 = tpu.memref_slice %arg7[%mul3A_37, %dma_start3A_39] : memref<10000x16xf32, #tpu.memory_space<vmem_shared>> -> memref<80x16xf32, #tpu.memory_space<vmem_shared>>
          tpu.enqueue_dma source(%arg6 : memref<80x16xf32, #tpu.memory_space<vmem>>) target(%dma_start3A_40 : memref<80x16xf32, #tpu.memory_space<vmem_shared>>) target_semaphore(%run_scoped3A : memref<!tpu.dma_semaphore, #tpu.memory_space<semaphore_mem>>)
          %dma_wait3A = arith.constant 0 : i32
          %dma_wait3A_41 = tpu.memref_slice %arg7[%mul3A_37, %dma_wait3A] : memref<10000x16xf32, #tpu.memory_space<vmem_shared>> -> memref<80x16xf32, #tpu.memory_space<vmem_shared>>
          %dma_wait3A_42 = arith.constant 0 : i32
          %dma_wait3A_43 = tpu.memref_slice %arg7[%mul3A_37, %dma_wait3A_42] : memref<10000x16xf32, #tpu.memory_space<vmem_shared>> -> memref<80x16xf32, #tpu.memory_space<vmem_shared>>
          tpu.wait_dma2 semaphore(%run_scoped3A : memref<!tpu.dma_semaphore, #tpu.memory_space<semaphore_mem>>) src(%arg6 : memref<80x16xf32, #tpu.memory_space<vmem>>) dst(%dma_wait3A_43 : memref<80x16xf32, #tpu.memory_space<vmem_shared>>)
          tpu.yield
        }) : () -> ()
      } else {
      }
    }
    %scan3A_14 = arith.constant 8 : i32
    %barrier3A = arith.constant 0 : index
    tpu.barrier barrier_id(%barrier3A)
    "tpu.region"() ({
      %run_scoped3A = tpu.sem_alloc : memref<!tpu.dma_semaphore, #tpu.memory_space<semaphore_mem>>
      %dma_start3A = arith.constant 0 : i32
      %dma_start3A_26 = arith.constant 0 : i32
      %dma_start3A_27 = tpu.memref_slice %arg2[%add3A, %dma_start3A, %dma_start3A_26] : memref<32x125x80xi32, #tpu.memory_space<hbm>> -> memref<1x125x80xi32, #tpu.memory_space<hbm>>
      %dma_start3A_28 = tpu.memref_squeeze %dma_start3A_27 : memref<1x125x80xi32, #tpu.memory_space<hbm>> -> memref<125x80xi32, #tpu.memory_space<hbm>>
      %dma_start3A_29 = arith.constant 0 : i32
      %dma_start3A_30 = arith.constant 0 : i32
      %dma_start3A_31 = tpu.memref_slice %arg2[%add3A, %dma_start3A_29, %dma_start3A_30] : memref<32x125x80xi32, #tpu.memory_space<hbm>> -> memref<1x125x80xi32, #tpu.memory_space<hbm>>
      %dma_start3A_32 = tpu.memref_squeeze %dma_start3A_31 : memref<1x125x80xi32, #tpu.memory_space<hbm>> -> memref<125x80xi32, #tpu.memory_space<hbm>>
      tpu.enqueue_dma source(%dma_start3A_32 : memref<125x80xi32, #tpu.memory_space<hbm>>) target(%arg4 : memref<125x80xi32, #tpu.memory_space<vmem>>) target_semaphore(%run_scoped3A : memref<!tpu.dma_semaphore, #tpu.memory_space<semaphore_mem>>)
      %dma_wait3A = arith.constant 0 : i32
      %dma_wait3A_33 = arith.constant 0 : i32
      %dma_wait3A_34 = tpu.memref_slice %arg2[%add3A, %dma_wait3A, %dma_wait3A_33] : memref<32x125x80xi32, #tpu.memory_space<hbm>> -> memref<1x125x80xi32, #tpu.memory_space<hbm>>
      %dma_wait3A_35 = tpu.memref_squeeze %dma_wait3A_34 : memref<1x125x80xi32, #tpu.memory_space<hbm>> -> memref<125x80xi32, #tpu.memory_space<hbm>>
      %dma_wait3A_36 = arith.constant 0 : i32
      %dma_wait3A_37 = arith.constant 0 : i32
      %dma_wait3A_38 = tpu.memref_slice %arg2[%add3A, %dma_wait3A_36, %dma_wait3A_37] : memref<32x125x80xi32, #tpu.memory_space<hbm>> -> memref<1x125x80xi32, #tpu.memory_space<hbm>>
      %dma_wait3A_39 = tpu.memref_squeeze %dma_wait3A_38 : memref<1x125x80xi32, #tpu.memory_space<hbm>> -> memref<125x80xi32, #tpu.memory_space<hbm>>
      tpu.wait_dma2 semaphore(%run_scoped3A : memref<!tpu.dma_semaphore, #tpu.memory_space<semaphore_mem>>) src(%dma_wait3A_39 : memref<125x80xi32, #tpu.memory_space<hbm>>) dst(%arg4 : memref<125x80xi32, #tpu.memory_space<vmem>>)
      tpu.yield
    }) : () -> ()
    %scan3A_15 = arith.constant 0 : i32
    %scan3A_16 = arith.constant 125 : i32
    %scan3A_17 = arith.addi %scan3A_15, %scan3A_16 : i32
    %scan3A_18 = arith.constant 1 : i32
    scf.for %scan3A_26 = %scan3A_15 to %scan3A_17 step %scan3A_18  : i32 {
      %mul3A_27 = arith.constant 1 : i32
      %mul3A_28 = arith.muli %scan3A_26, %mul3A_27 : i32
      %add3A_29 = arith.constant 0 : i32
      %add3A_30 = arith.addi %add3A_29, %mul3A_28 : i32
      "tpu.region"() ({
        %run_scoped3A = tpu.sem_alloc : memref<!tpu.dma_semaphore, #tpu.memory_space<semaphore_mem>>
        %dma_start3A = arith.constant 0 : i32
        %dma_start3A_31 = tpu.memref_slice %arg4[%add3A_30, %dma_start3A] : memref<125x80xi32, #tpu.memory_space<vmem>> -> memref<1x80xi32, #tpu.memory_space<vmem>>
        %dma_start3A_32 = tpu.memref_squeeze %dma_start3A_31 : memref<1x80xi32, #tpu.memory_space<vmem>> -> memref<80xi32, #tpu.memory_space<vmem>>
        %dma_start3A_33 = arith.constant 0 : i32
        %dma_start3A_34 = arith.constant 0 : i32
        %dma_start3A_35 = tpu.memref_slice %arg7[%dma_start3A_33, %dma_start3A_34] : memref<10000x16xf32, #tpu.memory_space<vmem_shared>> -> memref<10000x16xf32, #tpu.memory_space<vmem_shared>>
        tpu.enqueue_indirect_dma source(%arg5 : memref<80x16xf32, #tpu.memory_space<vmem>>) target(%dma_start3A_35 : memref<10000x16xf32, #tpu.memory_space<vmem_shared>>) offsets(%dma_start3A_32 : memref<80xi32, #tpu.memory_space<vmem>>) semaphore(%run_scoped3A : memref<!tpu.dma_semaphore, #tpu.memory_space<semaphore_mem>>) {add = true}
        %dma_wait3A = arith.constant 0 : i32
        %dma_wait3A_36 = tpu.memref_slice %arg4[%add3A_30, %dma_wait3A] : memref<125x80xi32, #tpu.memory_space<vmem>> -> memref<1x80xi32, #tpu.memory_space<vmem>>
        %dma_wait3A_37 = tpu.memref_squeeze %dma_wait3A_36 : memref<1x80xi32, #tpu.memory_space<vmem>> -> memref<80xi32, #tpu.memory_space<vmem>>
        %dma_wait3A_38 = arith.constant 0 : i32
        %dma_wait3A_39 = arith.constant 0 : i32
        %dma_wait3A_40 = tpu.memref_slice %arg7[%dma_wait3A_38, %dma_wait3A_39] : memref<10000x16xf32, #tpu.memory_space<vmem_shared>> -> memref<10000x16xf32, #tpu.memory_space<vmem_shared>>
        tpu.wait_indirect_dma semaphore(%run_scoped3A : memref<!tpu.dma_semaphore, #tpu.memory_space<semaphore_mem>>) src(%arg5 : memref<80x16xf32, #tpu.memory_space<vmem>>) dst(%dma_wait3A_40 : memref<10000x16xf32, #tpu.memory_space<vmem_shared>>)
        tpu.yield
      }) : () -> ()
    }
    %scan3A_19 = arith.constant 125 : i32
    %barrier3A_20 = arith.constant 0 : index
    tpu.barrier barrier_id(%barrier3A_20)
    %scan3A_21 = arith.constant 0 : i32
    %scan3A_22 = arith.constant 8 : i32
    %scan3A_23 = arith.addi %scan3A_21, %scan3A_22 : i32
    %scan3A_24 = arith.constant 1 : i32
    scf.for %scan3A_26 = %scan3A_21 to %scan3A_23 step %scan3A_24  : i32 {
      %mul3A_27 = arith.constant 1 : i32
      %mul3A_28 = arith.muli %scan3A_26, %mul3A_27 : i32
      %add3A_29 = arith.constant 0 : i32
      %add3A_30 = arith.addi %add3A_29, %mul3A_28 : i32
      %mul3A_31 = arith.constant 16 : i32
      %mul3A_32 = arith.muli %add3A_30, %mul3A_31 : i32
      %add3A_33 = arith.addi %arg1, %mul3A_32 : i32
      %lt3A = arith.constant 125 : i32
      %lt3A_34 = arith.cmpi slt, %add3A_33, %lt3A : i32
      %convert_element_type3A = arith.extui %lt3A_34 : i1 to i32
      %cond3A = arith.constant 0 : i32
      %cond3A_35 = arith.cmpi ne, %convert_element_type3A, %cond3A : i32
      scf.if %cond3A_35 {
        %mul3A_36 = arith.constant 80 : i32
        %mul3A_37 = arith.muli %add3A_33, %mul3A_36 : i32
        %mul3A_38 = arith.constant 10000 : i32
        %mul3A_39 = arith.muli %arg0, %mul3A_38 : i32
        %mul3A_40 = arith.constant 80 : i32
        %mul3A_41 = arith.muli %add3A_33, %mul3A_40 : i32
        %add3A_42 = arith.addi %mul3A_39, %mul3A_41 : i32
        "tpu.region"() ({
          %run_scoped3A = tpu.sem_alloc : memref<!tpu.dma_semaphore, #tpu.memory_space<semaphore_mem>>
          %dma_start3A = arith.constant 0 : i32
          %dma_start3A_43 = tpu.memref_slice %arg3[%add3A_42, %dma_start3A] : memref<20000x16xf32, #tpu.memory_space<hbm>> -> memref<80x16xf32, #tpu.memory_space<hbm>>
          %dma_start3A_44 = arith.constant 0 : i32
          %dma_start3A_45 = tpu.memref_slice %arg7[%mul3A_37, %dma_start3A_44] : memref<10000x16xf32, #tpu.memory_space<vmem_shared>> -> memref<80x16xf32, #tpu.memory_space<vmem_shared>>
          tpu.enqueue_dma source(%dma_start3A_45 : memref<80x16xf32, #tpu.memory_space<vmem_shared>>) target(%dma_start3A_43 : memref<80x16xf32, #tpu.memory_space<hbm>>) target_semaphore(%run_scoped3A : memref<!tpu.dma_semaphore, #tpu.memory_space<semaphore_mem>>)
          %dma_wait3A = arith.constant 0 : i32
          %dma_wait3A_46 = tpu.memref_slice %arg3[%add3A_42, %dma_wait3A] : memref<20000x16xf32, #tpu.memory_space<hbm>> -> memref<80x16xf32, #tpu.memory_space<hbm>>
          %dma_wait3A_47 = arith.constant 0 : i32
          %dma_wait3A_48 = tpu.memref_slice %arg7[%mul3A_37, %dma_wait3A_47] : memref<10000x16xf32, #tpu.memory_space<vmem_shared>> -> memref<80x16xf32, #tpu.memory_space<vmem_shared>>
          tpu.wait_dma2 semaphore(%run_scoped3A : memref<!tpu.dma_semaphore, #tpu.memory_space<semaphore_mem>>) src(%dma_wait3A_48 : memref<80x16xf32, #tpu.memory_space<vmem_shared>>) dst(%dma_wait3A_46 : memref<80x16xf32, #tpu.memory_space<hbm>>)
          tpu.yield
        }) : () -> ()
      } else {
      }
    }
    %scan3A_25 = arith.constant 8 : i32
    return
  }
}

#map = affine_map<(d0, d1) -> (0, 0)>
#map1 = affine_map<(d0, d1) -> (0, 0, 0, 0)>
module attributes {stable_mosaic.version = 14 : i64} {
  func.func @_sc_agg(%arg0: i32, %arg1: i32, %arg2: memref<10000x128xf32, #tpu.memory_space<hbm>>, %arg3: memref<32x2x64x80xi32, #tpu.memory_space<hbm>>, %arg4: memref<32x2x64x80xi32, #tpu.memory_space<hbm>>, %arg5: memref<20000x128xf32, #tpu.memory_space<hbm>>, %arg6: memref<64x80xi32, #tpu.memory_space<vmem>>, %arg7: memref<64x80xi32, #tpu.memory_space<vmem>>, %arg8: memref<80x128xf32, #tpu.memory_space<vmem>>, %arg9: memref<80x128xf32, #tpu.memory_space<vmem>>, %arg10: memref<10080x128xf32, #tpu.memory_space<vmem_shared>>, %arg11: memref<!tpu.dma_semaphore, #tpu.memory_space<semaphore_mem>>) attributes {dimension_semantics = [#tpu.dimension_semantics<core_parallel>, #tpu.dimension_semantics<subcore_parallel>], iteration_bounds = array<i64: 2, 16>, scalar_prefetch = 0 : i64, scratch_operands = 6 : i64, tpu.core_type = #tpu.core_type<sc_vector_subcore>, window_params = [{transform_indices = #map}, {transform_indices = #map1}, {transform_indices = #map1}, {transform_indices = #map}]} {
    %mul3A = arith.constant 2 : i32
    %mul3A_0 = arith.muli %arg1, %mul3A : i32
    %add3A = arith.addi %mul3A_0, %arg0 : i32
    %scan3A = arith.constant 0 : i32
    %scan3A_1 = arith.constant 80 : i32
    %scan3A_2 = arith.addi %scan3A, %scan3A_1 : i32
    %scan3A_3 = arith.constant 1 : i32
    scf.for %scan3A_29 = %scan3A to %scan3A_2 step %scan3A_3  : i32 {
      %mul3A_30 = arith.constant 1 : i32
      %mul3A_31 = arith.muli %scan3A_29, %mul3A_30 : i32
      %add3A_32 = arith.constant 0 : i32
      %add3A_33 = arith.addi %add3A_32, %mul3A_31 : i32
      %scan3A_34 = arith.constant 0 : i32
      %scan3A_35 = arith.constant 8 : i32
      %scan3A_36 = arith.addi %scan3A_34, %scan3A_35 : i32
      %scan3A_37 = arith.constant 1 : i32
      scf.for %scan3A_39 = %scan3A_34 to %scan3A_36 step %scan3A_37  : i32 {
        %mul3A_40 = arith.constant 16 : i32
        %mul3A_41 = arith.muli %scan3A_39, %mul3A_40 : i32
        %add3A_42 = arith.constant 0 : i32
        %add3A_43 = arith.addi %add3A_42, %mul3A_41 : i32
        %broadcast_in_dim3A = arith.constant 0.000000e+00 : f32
        %broadcast_in_dim3A_44 = vector.broadcast %broadcast_in_dim3A : f32 to vector<16xf32>
        %swap3A = arith.index_cast %add3A_33 : i32 to index
        %swap3A_45 = arith.index_cast %add3A_43 : i32 to index
        %swap3A_46 = tpu.vector_load %arg8[%swap3A, %swap3A_45] {strides = array<i32>} : memref<80x128xf32, #tpu.memory_space<vmem>>, vector<1x16xf32>,
        %swap3A_47 = vector.shape_cast %swap3A_46 : vector<1x16xf32> to vector<16xf32>
        %swap3A_48 = vector.shape_cast %broadcast_in_dim3A_44 : vector<16xf32> to vector<1x16xf32>
        tpu.vector_store %arg8[%swap3A, %swap3A_45], %swap3A_48 {strides = array<i32>} : memref<80x128xf32, #tpu.memory_space<vmem>>, vector<1x16xf32>,
      }
      %scan3A_38 = arith.constant 8 : i32
    }
    %scan3A_4 = arith.constant 80 : i32
    %scan3A_5 = arith.constant 0 : i32
    %scan3A_6 = arith.constant 8 : i32
    %scan3A_7 = arith.addi %scan3A_5, %scan3A_6 : i32
    %scan3A_8 = arith.constant 1 : i32
    scf.for %scan3A_29 = %scan3A_5 to %scan3A_7 step %scan3A_8  : i32 {
      %mul3A_30 = arith.constant 1 : i32
      %mul3A_31 = arith.muli %scan3A_29, %mul3A_30 : i32
      %add3A_32 = arith.constant 0 : i32
      %add3A_33 = arith.addi %add3A_32, %mul3A_31 : i32
      %mul3A_34 = arith.constant 16 : i32
      %mul3A_35 = arith.muli %add3A_33, %mul3A_34 : i32
      %add3A_36 = arith.addi %arg1, %mul3A_35 : i32
      %lt3A = arith.constant 126 : i32
      %lt3A_37 = arith.cmpi slt, %add3A_36, %lt3A : i32
      %convert_element_type3A = arith.extui %lt3A_37 : i1 to i32
      %cond3A = arith.constant 0 : i32
      %cond3A_38 = arith.cmpi ne, %convert_element_type3A, %cond3A : i32
      scf.if %cond3A_38 {
        %mul3A_39 = arith.constant 80 : i32
        %mul3A_40 = arith.muli %add3A_36, %mul3A_39 : i32
        "tpu.region"() ({
          %run_scoped3A_41 = tpu.sem_alloc : memref<!tpu.dma_semaphore, #tpu.memory_space<semaphore_mem>>
          %dma_start3A = arith.constant 0 : i32
          %dma_start3A_42 = tpu.memref_slice %arg10[%mul3A_40, %dma_start3A] : memref<10080x128xf32, #tpu.memory_space<vmem_shared>> -> memref<80x128xf32, #tpu.memory_space<vmem_shared>>
          %dma_start3A_43 = arith.constant 0 : i32
          %dma_start3A_44 = tpu.memref_slice %arg10[%mul3A_40, %dma_start3A_43] : memref<10080x128xf32, #tpu.memory_space<vmem_shared>> -> memref<80x128xf32, #tpu.memory_space<vmem_shared>>
          tpu.enqueue_dma source(%arg8 : memref<80x128xf32, #tpu.memory_space<vmem>>) target(%dma_start3A_44 : memref<80x128xf32, #tpu.memory_space<vmem_shared>>) target_semaphore(%run_scoped3A_41 : memref<!tpu.dma_semaphore, #tpu.memory_space<semaphore_mem>>)
          %dma_wait3A = arith.constant 0 : i32
          %dma_wait3A_45 = tpu.memref_slice %arg10[%mul3A_40, %dma_wait3A] : memref<10080x128xf32, #tpu.memory_space<vmem_shared>> -> memref<80x128xf32, #tpu.memory_space<vmem_shared>>
          %dma_wait3A_46 = arith.constant 0 : i32
          %dma_wait3A_47 = tpu.memref_slice %arg10[%mul3A_40, %dma_wait3A_46] : memref<10080x128xf32, #tpu.memory_space<vmem_shared>> -> memref<80x128xf32, #tpu.memory_space<vmem_shared>>
          tpu.wait_dma2 semaphore(%run_scoped3A_41 : memref<!tpu.dma_semaphore, #tpu.memory_space<semaphore_mem>>) src(%arg8 : memref<80x128xf32, #tpu.memory_space<vmem>>) dst(%dma_wait3A_47 : memref<80x128xf32, #tpu.memory_space<vmem_shared>>)
          tpu.yield
        }) : () -> ()
      } else {
      }
    }
    %scan3A_9 = arith.constant 8 : i32
    %barrier3A = arith.constant 0 : index
    tpu.barrier barrier_id(%barrier3A)
    %run_scoped3A = arith.constant 0 : i32
    "tpu.region"() ({
      %run_scoped3A_29 = tpu.sem_alloc : memref<!tpu.dma_semaphore, #tpu.memory_space<semaphore_mem>>
      %dma_start3A = arith.constant 0 : i32
      %dma_start3A_30 = arith.constant 0 : i32
      %dma_start3A_31 = tpu.memref_slice %arg3[%add3A, %run_scoped3A, %dma_start3A, %dma_start3A_30] : memref<32x2x64x80xi32, #tpu.memory_space<hbm>> -> memref<1x1x64x80xi32, #tpu.memory_space<hbm>>
      %dma_start3A_32 = tpu.memref_squeeze %dma_start3A_31 : memref<1x1x64x80xi32, #tpu.memory_space<hbm>> -> memref<64x80xi32, #tpu.memory_space<hbm>>
      %dma_start3A_33 = arith.constant 0 : i32
      %dma_start3A_34 = arith.constant 0 : i32
      %dma_start3A_35 = tpu.memref_slice %arg3[%add3A, %run_scoped3A, %dma_start3A_33, %dma_start3A_34] : memref<32x2x64x80xi32, #tpu.memory_space<hbm>> -> memref<1x1x64x80xi32, #tpu.memory_space<hbm>>
      %dma_start3A_36 = tpu.memref_squeeze %dma_start3A_35 : memref<1x1x64x80xi32, #tpu.memory_space<hbm>> -> memref<64x80xi32, #tpu.memory_space<hbm>>
      tpu.enqueue_dma source(%dma_start3A_36 : memref<64x80xi32, #tpu.memory_space<hbm>>) target(%arg6 : memref<64x80xi32, #tpu.memory_space<vmem>>) target_semaphore(%run_scoped3A_29 : memref<!tpu.dma_semaphore, #tpu.memory_space<semaphore_mem>>)
      %dma_wait3A = arith.constant 0 : i32
      %dma_wait3A_37 = arith.constant 0 : i32
      %dma_wait3A_38 = tpu.memref_slice %arg3[%add3A, %run_scoped3A, %dma_wait3A, %dma_wait3A_37] : memref<32x2x64x80xi32, #tpu.memory_space<hbm>> -> memref<1x1x64x80xi32, #tpu.memory_space<hbm>>
      %dma_wait3A_39 = tpu.memref_squeeze %dma_wait3A_38 : memref<1x1x64x80xi32, #tpu.memory_space<hbm>> -> memref<64x80xi32, #tpu.memory_space<hbm>>
      %dma_wait3A_40 = arith.constant 0 : i32
      %dma_wait3A_41 = arith.constant 0 : i32
      %dma_wait3A_42 = tpu.memref_slice %arg3[%add3A, %run_scoped3A, %dma_wait3A_40, %dma_wait3A_41] : memref<32x2x64x80xi32, #tpu.memory_space<hbm>> -> memref<1x1x64x80xi32, #tpu.memory_space<hbm>>
      %dma_wait3A_43 = tpu.memref_squeeze %dma_wait3A_42 : memref<1x1x64x80xi32, #tpu.memory_space<hbm>> -> memref<64x80xi32, #tpu.memory_space<hbm>>
      tpu.wait_dma2 semaphore(%run_scoped3A_29 : memref<!tpu.dma_semaphore, #tpu.memory_space<semaphore_mem>>) src(%dma_wait3A_43 : memref<64x80xi32, #tpu.memory_space<hbm>>) dst(%arg6 : memref<64x80xi32, #tpu.memory_space<vmem>>)
      tpu.yield
    }) : () -> ()
    %run_scoped3A_10 = arith.constant 0 : i32
    "tpu.region"() ({
      %run_scoped3A_29 = tpu.sem_alloc : memref<!tpu.dma_semaphore, #tpu.memory_space<semaphore_mem>>
      %dma_start3A = arith.constant 0 : i32
      %dma_start3A_30 = arith.constant 0 : i32
      %dma_start3A_31 = tpu.memref_slice %arg4[%add3A, %run_scoped3A_10, %dma_start3A, %dma_start3A_30] : memref<32x2x64x80xi32, #tpu.memory_space<hbm>> -> memref<1x1x64x80xi32, #tpu.memory_space<hbm>>
      %dma_start3A_32 = tpu.memref_squeeze %dma_start3A_31 : memref<1x1x64x80xi32, #tpu.memory_space<hbm>> -> memref<64x80xi32, #tpu.memory_space<hbm>>
      %dma_start3A_33 = arith.constant 0 : i32
      %dma_start3A_34 = arith.constant 0 : i32
      %dma_start3A_35 = tpu.memref_slice %arg4[%add3A, %run_scoped3A_10, %dma_start3A_33, %dma_start3A_34] : memref<32x2x64x80xi32, #tpu.memory_space<hbm>> -> memref<1x1x64x80xi32, #tpu.memory_space<hbm>>
      %dma_start3A_36 = tpu.memref_squeeze %dma_start3A_35 : memref<1x1x64x80xi32, #tpu.memory_space<hbm>> -> memref<64x80xi32, #tpu.memory_space<hbm>>
      tpu.enqueue_dma source(%dma_start3A_36 : memref<64x80xi32, #tpu.memory_space<hbm>>) target(%arg7 : memref<64x80xi32, #tpu.memory_space<vmem>>) target_semaphore(%run_scoped3A_29 : memref<!tpu.dma_semaphore, #tpu.memory_space<semaphore_mem>>)
      %dma_wait3A = arith.constant 0 : i32
      %dma_wait3A_37 = arith.constant 0 : i32
      %dma_wait3A_38 = tpu.memref_slice %arg4[%add3A, %run_scoped3A_10, %dma_wait3A, %dma_wait3A_37] : memref<32x2x64x80xi32, #tpu.memory_space<hbm>> -> memref<1x1x64x80xi32, #tpu.memory_space<hbm>>
      %dma_wait3A_39 = tpu.memref_squeeze %dma_wait3A_38 : memref<1x1x64x80xi32, #tpu.memory_space<hbm>> -> memref<64x80xi32, #tpu.memory_space<hbm>>
      %dma_wait3A_40 = arith.constant 0 : i32
      %dma_wait3A_41 = arith.constant 0 : i32
      %dma_wait3A_42 = tpu.memref_slice %arg4[%add3A, %run_scoped3A_10, %dma_wait3A_40, %dma_wait3A_41] : memref<32x2x64x80xi32, #tpu.memory_space<hbm>> -> memref<1x1x64x80xi32, #tpu.memory_space<hbm>>
      %dma_wait3A_43 = tpu.memref_squeeze %dma_wait3A_42 : memref<1x1x64x80xi32, #tpu.memory_space<hbm>> -> memref<64x80xi32, #tpu.memory_space<hbm>>
      tpu.wait_dma2 semaphore(%run_scoped3A_29 : memref<!tpu.dma_semaphore, #tpu.memory_space<semaphore_mem>>) src(%dma_wait3A_43 : memref<64x80xi32, #tpu.memory_space<hbm>>) dst(%arg7 : memref<64x80xi32, #tpu.memory_space<vmem>>)
      tpu.yield
    }) : () -> ()
    %scan3A_11 = arith.constant 0 : i32
    %scan3A_12 = arith.constant 64 : i32
    %scan3A_13 = arith.addi %scan3A_11, %scan3A_12 : i32
    %scan3A_14 = arith.constant 1 : i32
    scf.for %scan3A_29 = %scan3A_11 to %scan3A_13 step %scan3A_14  : i32 {
      %mul3A_30 = arith.constant 1 : i32
      %mul3A_31 = arith.muli %scan3A_29, %mul3A_30 : i32
      %add3A_32 = arith.constant 0 : i32
      %add3A_33 = arith.addi %add3A_32, %mul3A_31 : i32
      %dma_start3A = arith.constant 0 : i32
      %dma_start3A_34 = tpu.memref_slice %arg6[%add3A_33, %dma_start3A] : memref<64x80xi32, #tpu.memory_space<vmem>> -> memref<1x80xi32, #tpu.memory_space<vmem>>
      %dma_start3A_35 = tpu.memref_squeeze %dma_start3A_34 : memref<1x80xi32, #tpu.memory_space<vmem>> -> memref<80xi32, #tpu.memory_space<vmem>>
      %dma_start3A_36 = arith.constant 0 : i32
      %dma_start3A_37 = arith.constant 0 : i32
      %dma_start3A_38 = tpu.memref_slice %arg2[%dma_start3A_36, %dma_start3A_37] : memref<10000x128xf32, #tpu.memory_space<hbm>> -> memref<10000x128xf32, #tpu.memory_space<hbm>>
      tpu.enqueue_indirect_dma source(%dma_start3A_38 : memref<10000x128xf32, #tpu.memory_space<hbm>>) target(%arg8 : memref<80x128xf32, #tpu.memory_space<vmem>>) offsets(%dma_start3A_35 : memref<80xi32, #tpu.memory_space<vmem>>) semaphore(%arg11 : memref<!tpu.dma_semaphore, #tpu.memory_space<semaphore_mem>>)
      %dma_wait3A = arith.constant 0 : i32
      %dma_wait3A_39 = tpu.memref_slice %arg6[%add3A_33, %dma_wait3A] : memref<64x80xi32, #tpu.memory_space<vmem>> -> memref<1x80xi32, #tpu.memory_space<vmem>>
      %dma_wait3A_40 = tpu.memref_squeeze %dma_wait3A_39 : memref<1x80xi32, #tpu.memory_space<vmem>> -> memref<80xi32, #tpu.memory_space<vmem>>
      %dma_wait3A_41 = arith.constant 0 : i32
      %dma_wait3A_42 = arith.constant 0 : i32
      %dma_wait3A_43 = tpu.memref_slice %arg2[%dma_wait3A_41, %dma_wait3A_42] : memref<10000x128xf32, #tpu.memory_space<hbm>> -> memref<10000x128xf32, #tpu.memory_space<hbm>>
      tpu.wait_indirect_dma semaphore(%arg11 : memref<!tpu.dma_semaphore, #tpu.memory_space<semaphore_mem>>) src(%dma_wait3A_43 : memref<10000x128xf32, #tpu.memory_space<hbm>>) dst(%arg8 : memref<80x128xf32, #tpu.memory_space<vmem>>)
      "tpu.region"() ({
        %run_scoped3A_44 = tpu.sem_alloc : memref<!tpu.dma_semaphore, #tpu.memory_space<semaphore_mem>>
        %dma_start3A_45 = arith.constant 0 : i32
        %dma_start3A_46 = tpu.memref_slice %arg7[%add3A_33, %dma_start3A_45] : memref<64x80xi32, #tpu.memory_space<vmem>> -> memref<1x80xi32, #tpu.memory_space<vmem>>
        %dma_start3A_47 = tpu.memref_squeeze %dma_start3A_46 : memref<1x80xi32, #tpu.memory_space<vmem>> -> memref<80xi32, #tpu.memory_space<vmem>>
        %dma_start3A_48 = arith.constant 0 : i32
        %dma_start3A_49 = arith.constant 0 : i32
        %dma_start3A_50 = tpu.memref_slice %arg10[%dma_start3A_48, %dma_start3A_49] : memref<10080x128xf32, #tpu.memory_space<vmem_shared>> -> memref<10080x128xf32, #tpu.memory_space<vmem_shared>>
        tpu.enqueue_indirect_dma source(%arg8 : memref<80x128xf32, #tpu.memory_space<vmem>>) target(%dma_start3A_50 : memref<10080x128xf32, #tpu.memory_space<vmem_shared>>) offsets(%dma_start3A_47 : memref<80xi32, #tpu.memory_space<vmem>>) semaphore(%run_scoped3A_44 : memref<!tpu.dma_semaphore, #tpu.memory_space<semaphore_mem>>) {add = true}
        %dma_wait3A_51 = arith.constant 0 : i32
        %dma_wait3A_52 = tpu.memref_slice %arg7[%add3A_33, %dma_wait3A_51] : memref<64x80xi32, #tpu.memory_space<vmem>> -> memref<1x80xi32, #tpu.memory_space<vmem>>
        %dma_wait3A_53 = tpu.memref_squeeze %dma_wait3A_52 : memref<1x80xi32, #tpu.memory_space<vmem>> -> memref<80xi32, #tpu.memory_space<vmem>>
        %dma_wait3A_54 = arith.constant 0 : i32
        %dma_wait3A_55 = arith.constant 0 : i32
        %dma_wait3A_56 = tpu.memref_slice %arg10[%dma_wait3A_54, %dma_wait3A_55] : memref<10080x128xf32, #tpu.memory_space<vmem_shared>> -> memref<10080x128xf32, #tpu.memory_space<vmem_shared>>
        tpu.wait_indirect_dma semaphore(%run_scoped3A_44 : memref<!tpu.dma_semaphore, #tpu.memory_space<semaphore_mem>>) src(%arg8 : memref<80x128xf32, #tpu.memory_space<vmem>>) dst(%dma_wait3A_56 : memref<10080x128xf32, #tpu.memory_space<vmem_shared>>)
        tpu.yield
      }) : () -> ()
    }
    %scan3A_15 = arith.constant 64 : i32
    %run_scoped3A_16 = arith.constant 1 : i32
    "tpu.region"() ({
      %run_scoped3A_29 = tpu.sem_alloc : memref<!tpu.dma_semaphore, #tpu.memory_space<semaphore_mem>>
      %dma_start3A = arith.constant 0 : i32
      %dma_start3A_30 = arith.constant 0 : i32
      %dma_start3A_31 = tpu.memref_slice %arg3[%add3A, %run_scoped3A_16, %dma_start3A, %dma_start3A_30] : memref<32x2x64x80xi32, #tpu.memory_space<hbm>> -> memref<1x1x64x80xi32, #tpu.memory_space<hbm>>
      %dma_start3A_32 = tpu.memref_squeeze %dma_start3A_31 : memref<1x1x64x80xi32, #tpu.memory_space<hbm>> -> memref<64x80xi32, #tpu.memory_space<hbm>>
      %dma_start3A_33 = arith.constant 0 : i32
      %dma_start3A_34 = arith.constant 0 : i32
      %dma_start3A_35 = tpu.memref_slice %arg3[%add3A, %run_scoped3A_16, %dma_start3A_33, %dma_start3A_34] : memref<32x2x64x80xi32, #tpu.memory_space<hbm>> -> memref<1x1x64x80xi32, #tpu.memory_space<hbm>>
      %dma_start3A_36 = tpu.memref_squeeze %dma_start3A_35 : memref<1x1x64x80xi32, #tpu.memory_space<hbm>> -> memref<64x80xi32, #tpu.memory_space<hbm>>
      tpu.enqueue_dma source(%dma_start3A_36 : memref<64x80xi32, #tpu.memory_space<hbm>>) target(%arg6 : memref<64x80xi32, #tpu.memory_space<vmem>>) target_semaphore(%run_scoped3A_29 : memref<!tpu.dma_semaphore, #tpu.memory_space<semaphore_mem>>)
      %dma_wait3A = arith.constant 0 : i32
      %dma_wait3A_37 = arith.constant 0 : i32
      %dma_wait3A_38 = tpu.memref_slice %arg3[%add3A, %run_scoped3A_16, %dma_wait3A, %dma_wait3A_37] : memref<32x2x64x80xi32, #tpu.memory_space<hbm>> -> memref<1x1x64x80xi32, #tpu.memory_space<hbm>>
      %dma_wait3A_39 = tpu.memref_squeeze %dma_wait3A_38 : memref<1x1x64x80xi32, #tpu.memory_space<hbm>> -> memref<64x80xi32, #tpu.memory_space<hbm>>
      %dma_wait3A_40 = arith.constant 0 : i32
      %dma_wait3A_41 = arith.constant 0 : i32
      %dma_wait3A_42 = tpu.memref_slice %arg3[%add3A, %run_scoped3A_16, %dma_wait3A_40, %dma_wait3A_41] : memref<32x2x64x80xi32, #tpu.memory_space<hbm>> -> memref<1x1x64x80xi32, #tpu.memory_space<hbm>>
      %dma_wait3A_43 = tpu.memref_squeeze %dma_wait3A_42 : memref<1x1x64x80xi32, #tpu.memory_space<hbm>> -> memref<64x80xi32, #tpu.memory_space<hbm>>
      tpu.wait_dma2 semaphore(%run_scoped3A_29 : memref<!tpu.dma_semaphore, #tpu.memory_space<semaphore_mem>>) src(%dma_wait3A_43 : memref<64x80xi32, #tpu.memory_space<hbm>>) dst(%arg6 : memref<64x80xi32, #tpu.memory_space<vmem>>)
      tpu.yield
    }) : () -> ()
    %run_scoped3A_17 = arith.constant 1 : i32
    "tpu.region"() ({
      %run_scoped3A_29 = tpu.sem_alloc : memref<!tpu.dma_semaphore, #tpu.memory_space<semaphore_mem>>
      %dma_start3A = arith.constant 0 : i32
      %dma_start3A_30 = arith.constant 0 : i32
      %dma_start3A_31 = tpu.memref_slice %arg4[%add3A, %run_scoped3A_17, %dma_start3A, %dma_start3A_30] : memref<32x2x64x80xi32, #tpu.memory_space<hbm>> -> memref<1x1x64x80xi32, #tpu.memory_space<hbm>>
      %dma_start3A_32 = tpu.memref_squeeze %dma_start3A_31 : memref<1x1x64x80xi32, #tpu.memory_space<hbm>> -> memref<64x80xi32, #tpu.memory_space<hbm>>
      %dma_start3A_33 = arith.constant 0 : i32
      %dma_start3A_34 = arith.constant 0 : i32
      %dma_start3A_35 = tpu.memref_slice %arg4[%add3A, %run_scoped3A_17, %dma_start3A_33, %dma_start3A_34] : memref<32x2x64x80xi32, #tpu.memory_space<hbm>> -> memref<1x1x64x80xi32, #tpu.memory_space<hbm>>
      %dma_start3A_36 = tpu.memref_squeeze %dma_start3A_35 : memref<1x1x64x80xi32, #tpu.memory_space<hbm>> -> memref<64x80xi32, #tpu.memory_space<hbm>>
      tpu.enqueue_dma source(%dma_start3A_36 : memref<64x80xi32, #tpu.memory_space<hbm>>) target(%arg7 : memref<64x80xi32, #tpu.memory_space<vmem>>) target_semaphore(%run_scoped3A_29 : memref<!tpu.dma_semaphore, #tpu.memory_space<semaphore_mem>>)
      %dma_wait3A = arith.constant 0 : i32
      %dma_wait3A_37 = arith.constant 0 : i32
      %dma_wait3A_38 = tpu.memref_slice %arg4[%add3A, %run_scoped3A_17, %dma_wait3A, %dma_wait3A_37] : memref<32x2x64x80xi32, #tpu.memory_space<hbm>> -> memref<1x1x64x80xi32, #tpu.memory_space<hbm>>
      %dma_wait3A_39 = tpu.memref_squeeze %dma_wait3A_38 : memref<1x1x64x80xi32, #tpu.memory_space<hbm>> -> memref<64x80xi32, #tpu.memory_space<hbm>>
      %dma_wait3A_40 = arith.constant 0 : i32
      %dma_wait3A_41 = arith.constant 0 : i32
      %dma_wait3A_42 = tpu.memref_slice %arg4[%add3A, %run_scoped3A_17, %dma_wait3A_40, %dma_wait3A_41] : memref<32x2x64x80xi32, #tpu.memory_space<hbm>> -> memref<1x1x64x80xi32, #tpu.memory_space<hbm>>
      %dma_wait3A_43 = tpu.memref_squeeze %dma_wait3A_42 : memref<1x1x64x80xi32, #tpu.memory_space<hbm>> -> memref<64x80xi32, #tpu.memory_space<hbm>>
      tpu.wait_dma2 semaphore(%run_scoped3A_29 : memref<!tpu.dma_semaphore, #tpu.memory_space<semaphore_mem>>) src(%dma_wait3A_43 : memref<64x80xi32, #tpu.memory_space<hbm>>) dst(%arg7 : memref<64x80xi32, #tpu.memory_space<vmem>>)
      tpu.yield
    }) : () -> ()
    %scan3A_18 = arith.constant 0 : i32
    %scan3A_19 = arith.constant 64 : i32
    %scan3A_20 = arith.addi %scan3A_18, %scan3A_19 : i32
    %scan3A_21 = arith.constant 1 : i32
    scf.for %scan3A_29 = %scan3A_18 to %scan3A_20 step %scan3A_21  : i32 {
      %mul3A_30 = arith.constant 1 : i32
      %mul3A_31 = arith.muli %scan3A_29, %mul3A_30 : i32
      %add3A_32 = arith.constant 0 : i32
      %add3A_33 = arith.addi %add3A_32, %mul3A_31 : i32
      %dma_start3A = arith.constant 0 : i32
      %dma_start3A_34 = tpu.memref_slice %arg6[%add3A_33, %dma_start3A] : memref<64x80xi32, #tpu.memory_space<vmem>> -> memref<1x80xi32, #tpu.memory_space<vmem>>
      %dma_start3A_35 = tpu.memref_squeeze %dma_start3A_34 : memref<1x80xi32, #tpu.memory_space<vmem>> -> memref<80xi32, #tpu.memory_space<vmem>>
      %dma_start3A_36 = arith.constant 0 : i32
      %dma_start3A_37 = arith.constant 0 : i32
      %dma_start3A_38 = tpu.memref_slice %arg2[%dma_start3A_36, %dma_start3A_37] : memref<10000x128xf32, #tpu.memory_space<hbm>> -> memref<10000x128xf32, #tpu.memory_space<hbm>>
      tpu.enqueue_indirect_dma source(%dma_start3A_38 : memref<10000x128xf32, #tpu.memory_space<hbm>>) target(%arg8 : memref<80x128xf32, #tpu.memory_space<vmem>>) offsets(%dma_start3A_35 : memref<80xi32, #tpu.memory_space<vmem>>) semaphore(%arg11 : memref<!tpu.dma_semaphore, #tpu.memory_space<semaphore_mem>>)
      %dma_wait3A = arith.constant 0 : i32
      %dma_wait3A_39 = tpu.memref_slice %arg6[%add3A_33, %dma_wait3A] : memref<64x80xi32, #tpu.memory_space<vmem>> -> memref<1x80xi32, #tpu.memory_space<vmem>>
      %dma_wait3A_40 = tpu.memref_squeeze %dma_wait3A_39 : memref<1x80xi32, #tpu.memory_space<vmem>> -> memref<80xi32, #tpu.memory_space<vmem>>
      %dma_wait3A_41 = arith.constant 0 : i32
      %dma_wait3A_42 = arith.constant 0 : i32
      %dma_wait3A_43 = tpu.memref_slice %arg2[%dma_wait3A_41, %dma_wait3A_42] : memref<10000x128xf32, #tpu.memory_space<hbm>> -> memref<10000x128xf32, #tpu.memory_space<hbm>>
      tpu.wait_indirect_dma semaphore(%arg11 : memref<!tpu.dma_semaphore, #tpu.memory_space<semaphore_mem>>) src(%dma_wait3A_43 : memref<10000x128xf32, #tpu.memory_space<hbm>>) dst(%arg8 : memref<80x128xf32, #tpu.memory_space<vmem>>)
      "tpu.region"() ({
        %run_scoped3A_44 = tpu.sem_alloc : memref<!tpu.dma_semaphore, #tpu.memory_space<semaphore_mem>>
        %dma_start3A_45 = arith.constant 0 : i32
        %dma_start3A_46 = tpu.memref_slice %arg7[%add3A_33, %dma_start3A_45] : memref<64x80xi32, #tpu.memory_space<vmem>> -> memref<1x80xi32, #tpu.memory_space<vmem>>
        %dma_start3A_47 = tpu.memref_squeeze %dma_start3A_46 : memref<1x80xi32, #tpu.memory_space<vmem>> -> memref<80xi32, #tpu.memory_space<vmem>>
        %dma_start3A_48 = arith.constant 0 : i32
        %dma_start3A_49 = arith.constant 0 : i32
        %dma_start3A_50 = tpu.memref_slice %arg10[%dma_start3A_48, %dma_start3A_49] : memref<10080x128xf32, #tpu.memory_space<vmem_shared>> -> memref<10080x128xf32, #tpu.memory_space<vmem_shared>>
        tpu.enqueue_indirect_dma source(%arg8 : memref<80x128xf32, #tpu.memory_space<vmem>>) target(%dma_start3A_50 : memref<10080x128xf32, #tpu.memory_space<vmem_shared>>) offsets(%dma_start3A_47 : memref<80xi32, #tpu.memory_space<vmem>>) semaphore(%run_scoped3A_44 : memref<!tpu.dma_semaphore, #tpu.memory_space<semaphore_mem>>) {add = true}
        %dma_wait3A_51 = arith.constant 0 : i32
        %dma_wait3A_52 = tpu.memref_slice %arg7[%add3A_33, %dma_wait3A_51] : memref<64x80xi32, #tpu.memory_space<vmem>> -> memref<1x80xi32, #tpu.memory_space<vmem>>
        %dma_wait3A_53 = tpu.memref_squeeze %dma_wait3A_52 : memref<1x80xi32, #tpu.memory_space<vmem>> -> memref<80xi32, #tpu.memory_space<vmem>>
        %dma_wait3A_54 = arith.constant 0 : i32
        %dma_wait3A_55 = arith.constant 0 : i32
        %dma_wait3A_56 = tpu.memref_slice %arg10[%dma_wait3A_54, %dma_wait3A_55] : memref<10080x128xf32, #tpu.memory_space<vmem_shared>> -> memref<10080x128xf32, #tpu.memory_space<vmem_shared>>
        tpu.wait_indirect_dma semaphore(%run_scoped3A_44 : memref<!tpu.dma_semaphore, #tpu.memory_space<semaphore_mem>>) src(%arg8 : memref<80x128xf32, #tpu.memory_space<vmem>>) dst(%dma_wait3A_56 : memref<10080x128xf32, #tpu.memory_space<vmem_shared>>)
        tpu.yield
      }) : () -> ()
    }
    %scan3A_22 = arith.constant 64 : i32
    %barrier3A_23 = arith.constant 0 : index
    tpu.barrier barrier_id(%barrier3A_23)
    %scan3A_24 = arith.constant 0 : i32
    %scan3A_25 = arith.constant 8 : i32
    %scan3A_26 = arith.addi %scan3A_24, %scan3A_25 : i32
    %scan3A_27 = arith.constant 1 : i32
    scf.for %scan3A_29 = %scan3A_24 to %scan3A_26 step %scan3A_27  : i32 {
      %mul3A_30 = arith.constant 1 : i32
      %mul3A_31 = arith.muli %scan3A_29, %mul3A_30 : i32
      %add3A_32 = arith.constant 0 : i32
      %add3A_33 = arith.addi %add3A_32, %mul3A_31 : i32
      %mul3A_34 = arith.constant 16 : i32
      %mul3A_35 = arith.muli %add3A_33, %mul3A_34 : i32
      %add3A_36 = arith.addi %arg1, %mul3A_35 : i32
      %lt3A = arith.constant 125 : i32
      %lt3A_37 = arith.cmpi slt, %add3A_36, %lt3A : i32
      %convert_element_type3A = arith.extui %lt3A_37 : i1 to i32
      %cond3A = arith.constant 0 : i32
      %cond3A_38 = arith.cmpi ne, %convert_element_type3A, %cond3A : i32
      scf.if %cond3A_38 {
        %mul3A_39 = arith.constant 80 : i32
        %mul3A_40 = arith.muli %add3A_36, %mul3A_39 : i32
        %mul3A_41 = arith.constant 10000 : i32
        %mul3A_42 = arith.muli %arg0, %mul3A_41 : i32
        %mul3A_43 = arith.constant 80 : i32
        %mul3A_44 = arith.muli %add3A_36, %mul3A_43 : i32
        %add3A_45 = arith.addi %mul3A_42, %mul3A_44 : i32
        "tpu.region"() ({
          %run_scoped3A_46 = tpu.sem_alloc : memref<!tpu.dma_semaphore, #tpu.memory_space<semaphore_mem>>
          %dma_start3A = arith.constant 0 : i32
          %dma_start3A_47 = tpu.memref_slice %arg5[%add3A_45, %dma_start3A] : memref<20000x128xf32, #tpu.memory_space<hbm>> -> memref<80x128xf32, #tpu.memory_space<hbm>>
          %dma_start3A_48 = arith.constant 0 : i32
          %dma_start3A_49 = tpu.memref_slice %arg10[%mul3A_40, %dma_start3A_48] : memref<10080x128xf32, #tpu.memory_space<vmem_shared>> -> memref<80x128xf32, #tpu.memory_space<vmem_shared>>
          tpu.enqueue_dma source(%dma_start3A_49 : memref<80x128xf32, #tpu.memory_space<vmem_shared>>) target(%dma_start3A_47 : memref<80x128xf32, #tpu.memory_space<hbm>>) target_semaphore(%run_scoped3A_46 : memref<!tpu.dma_semaphore, #tpu.memory_space<semaphore_mem>>)
          %dma_wait3A = arith.constant 0 : i32
          %dma_wait3A_50 = tpu.memref_slice %arg5[%add3A_45, %dma_wait3A] : memref<20000x128xf32, #tpu.memory_space<hbm>> -> memref<80x128xf32, #tpu.memory_space<hbm>>
          %dma_wait3A_51 = arith.constant 0 : i32
          %dma_wait3A_52 = tpu.memref_slice %arg10[%mul3A_40, %dma_wait3A_51] : memref<10080x128xf32, #tpu.memory_space<vmem_shared>> -> memref<80x128xf32, #tpu.memory_space<vmem_shared>>
          tpu.wait_dma2 semaphore(%run_scoped3A_46 : memref<!tpu.dma_semaphore, #tpu.memory_space<semaphore_mem>>) src(%dma_wait3A_52 : memref<80x128xf32, #tpu.memory_space<vmem_shared>>) dst(%dma_wait3A_50 : memref<80x128xf32, #tpu.memory_space<hbm>>)
          tpu.yield
        }) : () -> ()
      } else {
      }
    }
    %scan3A_28 = arith.constant 8 : i32
    return
  }
}

module attributes {stable_mosaic.version = 14 : i64} {
  func.func @body(%arg0: i32, %arg1: memref<2x1000x16xf32, #tpu.memory_space<vmem>>, %arg2: memref<1000x128xf32, #tpu.memory_space<vmem>>, %arg3: memref<128x128xf32, #tpu.memory_space<vmem>>, %arg4: memref<1000x128xf32, #tpu.memory_space<vmem>>, %arg5: memref<1000x128xf32, #tpu.memory_space<vmem>>) attributes {dimension_semantics = [#tpu.dimension_semantics<arbitrary>], iteration_bounds = array<i64: 10>, scalar_prefetch = 0 : i64, scratch_operands = 0 : i64, tpu.core_type = #tpu.core_type<tc>, window_params = [{transform_indices = @transform_0, window_bounds = array<i64: 2, 1000, 16>}, {transform_indices = @transform_1, window_bounds = array<i64: 1000, 128>}, {pipeline_mode = #tpu.pipeline_mode<synchronous>, transform_indices = @transform_2, window_bounds = array<i64: 128, 128>}, {transform_indices = @transform_3, window_bounds = array<i64: 1000, 128>}, {transform_indices = @transform_4, window_bounds = array<i64: 1000, 128>}]} {
    %get3A = arith.constant 0 : index
    %get3A_0 = arith.constant 0 : index
    %get3A_1 = vector.load %arg2[%get3A, %get3A_0] : memref<1000x128xf32, #tpu.memory_space<vmem>>, vector<1000x128xf32>
    %get3A_2 = arith.constant 0 : index
    %get3A_3 = arith.constant 0 : index
    %get3A_4 = vector.load %arg3[%get3A_2, %get3A_3] : memref<128x128xf32, #tpu.memory_space<vmem>>, vector<128x128xf32>
    %dot_general3A = arith.constant dense<0.000000e+00> : vector<1000x128xf32>
    %dot_general3A_5 = tpu.matmul %get3A_1, %get3A_4, %dot_general3A {dimension_numbers = #tpu.dot_dimension_numbers<[1], [0], [0], [1], [0, 0, 1, 1], [], []>, transpose_lhs_hint = false} : vector<1000x128xf32>, vector<128x128xf32>, vector<1000x128xf32> -> vector<1000x128xf32>
    %swap3A = arith.constant 0 : index
    %swap3A_6 = arith.constant 0 : index
    %swap3A_7 = vector.load %arg4[%swap3A, %swap3A_6] : memref<1000x128xf32, #tpu.memory_space<vmem>>, vector<1000x128xf32>
    tpu.vector_store %arg4[%swap3A, %swap3A_6], %dot_general3A_5 {strides = array<i32>} : memref<1000x128xf32, #tpu.memory_space<vmem>>, vector<1000x128xf32>,
    %get3A_8 = arith.constant 0 : index
    %get3A_9 = arith.constant 0 : index
    %get3A_10 = arith.constant 0 : index
    %get3A_11 = vector.load %arg1[%get3A_8, %get3A_9, %get3A_10] : memref<2x1000x16xf32, #tpu.memory_space<vmem>>, vector<1x1000x1xf32>
    %get3A_12 = vector.shape_cast %get3A_11 : vector<1x1000x1xf32> to vector<1000x1xf32>
    %get3A_13 = arith.constant 1 : index
    %get3A_14 = arith.constant 0 : index
    %get3A_15 = arith.constant 0 : index
    %get3A_16 = vector.load %arg1[%get3A_13, %get3A_14, %get3A_15] : memref<2x1000x16xf32, #tpu.memory_space<vmem>>, vector<1x1000x1xf32>
    %get3A_17 = vector.shape_cast %get3A_16 : vector<1x1000x1xf32> to vector<1000x1xf32>
    %add3A = arith.addf %get3A_12, %get3A_17 : vector<1000x1xf32>
    %add3A_18 = arith.constant 1.000000e+00 : f32
    %add3A_19 = vector.broadcast %add3A_18 : f32 to vector<1000x1xf32>
    %add3A_20 = arith.addf %add3A, %add3A_19 : vector<1000x1xf32>
    %rsqrt3A = math.rsqrt %add3A_20 : vector<1000x1xf32>
    %mul3A = vector.broadcast %rsqrt3A : vector<1000x1xf32> to vector<1000x128xf32>
    %mul3A_21 = arith.mulf %dot_general3A_5, %mul3A : vector<1000x128xf32>
    %swap3A_22 = arith.constant 0 : index
    %swap3A_23 = arith.constant 0 : index
    %swap3A_24 = vector.load %arg5[%swap3A_22, %swap3A_23] : memref<1000x128xf32, #tpu.memory_space<vmem>>, vector<1000x128xf32>
    tpu.vector_store %arg5[%swap3A_22, %swap3A_23], %mul3A_21 {strides = array<i32>} : memref<1000x128xf32, #tpu.memory_space<vmem>>, vector<1000x128xf32>,
    return
  }
  func.func @transform_0(%arg0: i32) -> (i32, i32, i32) {
    %c0_i32 = arith.constant 0 : i32
    %c0_i32_0 = arith.constant 0 : i32
    %c0_i32_1 = arith.constant 0 : i32
    return %c0_i32, %arg0, %c0_i32_0 : i32, i32, i32
  }
  func.func @transform_1(%arg0: i32) -> (i32, i32) {
    %c0_i32 = arith.constant 0 : i32
    %c0_i32_0 = arith.constant 0 : i32
    return %arg0, %c0_i32 : i32, i32
  }
  func.func @transform_2(%arg0: i32) -> (i32, i32) {
    %c0_i32 = arith.constant 0 : i32
    %c0_i32_0 = arith.constant 0 : i32
    %c0_i32_1 = arith.constant 0 : i32
    return %c0_i32, %c0_i32_0 : i32, i32
  }
  func.func @transform_3(%arg0: i32) -> (i32, i32) {
    %c0_i32 = arith.constant 0 : i32
    %c0_i32_0 = arith.constant 0 : i32
    return %arg0, %c0_i32 : i32, i32
  }
  func.func @transform_4(%arg0: i32) -> (i32, i32) {
    %c0_i32 = arith.constant 0 : i32
    %c0_i32_0 = arith.constant 0 : i32
    return %arg0, %c0_i32 : i32, i32
  }
}

module attributes {stable_mosaic.version = 14 : i64} {
  func.func @body(%arg0: i32, %arg1: memref<2x1000x16xf32, #tpu.memory_space<vmem>>, %arg2: memref<2x1000x128xf32, #tpu.memory_space<vmem>>, %arg3: memref<1000x128xf32, #tpu.memory_space<vmem>>, %arg4: memref<1x128xf32, #tpu.memory_space<vmem>>, %arg5: memref<128x128xf32, #tpu.memory_space<vmem>>, %arg6: memref<1000x128xf32, #tpu.memory_space<vmem>>, %arg7: memref<1000x128xf32, #tpu.memory_space<vmem>>) attributes {dimension_semantics = [#tpu.dimension_semantics<arbitrary>], iteration_bounds = array<i64: 10>, scalar_prefetch = 0 : i64, scratch_operands = 0 : i64, tpu.core_type = #tpu.core_type<tc>, window_params = [{transform_indices = @transform_0, window_bounds = array<i64: 2, 1000, 16>}, {transform_indices = @transform_1, window_bounds = array<i64: 2, 1000, 128>}, {transform_indices = @transform_2, window_bounds = array<i64: 1000, 128>}, {pipeline_mode = #tpu.pipeline_mode<synchronous>, transform_indices = @transform_3, window_bounds = array<i64: 1, 128>}, {pipeline_mode = #tpu.pipeline_mode<synchronous>, transform_indices = @transform_4, window_bounds = array<i64: 128, 128>}, {transform_indices = @transform_5, window_bounds = array<i64: 1000, 128>}, {transform_indices = @transform_6, window_bounds = array<i64: 1000, 128>}]} {
    %get3A = arith.constant 0 : index
    %get3A_0 = arith.constant 0 : index
    %get3A_1 = arith.constant 0 : index
    %get3A_2 = vector.load %arg1[%get3A, %get3A_0, %get3A_1] : memref<2x1000x16xf32, #tpu.memory_space<vmem>>, vector<1x1000x1xf32>
    %get3A_3 = vector.shape_cast %get3A_2 : vector<1x1000x1xf32> to vector<1000x1xf32>
    %get3A_4 = arith.constant 1 : index
    %get3A_5 = arith.constant 0 : index
    %get3A_6 = arith.constant 0 : index
    %get3A_7 = vector.load %arg1[%get3A_4, %get3A_5, %get3A_6] : memref<2x1000x16xf32, #tpu.memory_space<vmem>>, vector<1x1000x1xf32>
    %get3A_8 = vector.shape_cast %get3A_7 : vector<1x1000x1xf32> to vector<1000x1xf32>
    %add3A = arith.addf %get3A_3, %get3A_8 : vector<1000x1xf32>
    %add3A_9 = arith.constant 1.000000e+00 : f32
    %add3A_10 = vector.broadcast %add3A_9 : f32 to vector<1000x1xf32>
    %add3A_11 = arith.addf %add3A, %add3A_10 : vector<1000x1xf32>
    %rsqrt3A = math.rsqrt %add3A_11 : vector<1000x1xf32>
    %get3A_12 = arith.constant 0 : index
    %get3A_13 = arith.constant 0 : index
    %get3A_14 = arith.constant 0 : index
    %get3A_15 = vector.load %arg2[%get3A_12, %get3A_13, %get3A_14] : memref<2x1000x128xf32, #tpu.memory_space<vmem>>, vector<1x1000x128xf32>
    %get3A_16 = vector.shape_cast %get3A_15 : vector<1x1000x128xf32> to vector<1000x128xf32>
    %get3A_17 = arith.constant 1 : index
    %get3A_18 = arith.constant 0 : index
    %get3A_19 = arith.constant 0 : index
    %get3A_20 = vector.load %arg2[%get3A_17, %get3A_18, %get3A_19] : memref<2x1000x128xf32, #tpu.memory_space<vmem>>, vector<1x1000x128xf32>
    %get3A_21 = vector.shape_cast %get3A_20 : vector<1x1000x128xf32> to vector<1000x128xf32>
    %add3A_22 = arith.addf %get3A_16, %get3A_21 : vector<1000x128xf32>
    %mul3A = vector.broadcast %rsqrt3A : vector<1000x1xf32> to vector<1000x128xf32>
    %mul3A_23 = arith.mulf %mul3A, %add3A_22 : vector<1000x128xf32>
    %mul3A_24 = arith.mulf %rsqrt3A, %rsqrt3A : vector<1000x1xf32>
    %get3A_25 = arith.constant 0 : index
    %get3A_26 = arith.constant 0 : index
    %get3A_27 = vector.load %arg3[%get3A_25, %get3A_26] : memref<1000x128xf32, #tpu.memory_space<vmem>>, vector<1000x128xf32>
    %mul3A_28 = vector.broadcast %mul3A_24 : vector<1000x1xf32> to vector<1000x128xf32>
    %mul3A_29 = arith.mulf %mul3A_28, %get3A_27 : vector<1000x128xf32>
    %add3A_30 = arith.addf %mul3A_23, %mul3A_29 : vector<1000x128xf32>
    %get3A_31 = arith.constant 0 : index
    %get3A_32 = arith.constant 0 : index
    %get3A_33 = vector.load %arg4[%get3A_31, %get3A_32] : memref<1x128xf32, #tpu.memory_space<vmem>>, vector<1x128xf32>
    %add3A_34 = vector.broadcast %get3A_33 : vector<1x128xf32> to vector<1000x128xf32>
    %add3A_35 = arith.addf %add3A_30, %add3A_34 : vector<1000x128xf32>
    %max3A = arith.constant 0.000000e+00 : f32
    %max3A_36 = vector.broadcast %max3A : f32 to vector<1000x128xf32>
    %max3A_37 = arith.maximumf %add3A_35, %max3A_36 : vector<1000x128xf32>
    %get3A_38 = arith.constant 0 : index
    %get3A_39 = arith.constant 0 : index
    %get3A_40 = vector.load %arg5[%get3A_38, %get3A_39] : memref<128x128xf32, #tpu.memory_space<vmem>>, vector<128x128xf32>
    %dot_general3A = arith.constant dense<0.000000e+00> : vector<1000x128xf32>
    %dot_general3A_41 = tpu.matmul %max3A_37, %get3A_40, %dot_general3A {dimension_numbers = #tpu.dot_dimension_numbers<[1], [0], [0], [1], [0, 0, 1, 1], [], []>, transpose_lhs_hint = false} : vector<1000x128xf32>, vector<128x128xf32>, vector<1000x128xf32> -> vector<1000x128xf32>
    %swap3A = arith.constant 0 : index
    %swap3A_42 = arith.constant 0 : index
    %swap3A_43 = vector.load %arg6[%swap3A, %swap3A_42] : memref<1000x128xf32, #tpu.memory_space<vmem>>, vector<1000x128xf32>
    tpu.vector_store %arg6[%swap3A, %swap3A_42], %dot_general3A_41 {strides = array<i32>} : memref<1000x128xf32, #tpu.memory_space<vmem>>, vector<1000x128xf32>,
    %mul3A_44 = vector.broadcast %rsqrt3A : vector<1000x1xf32> to vector<1000x128xf32>
    %mul3A_45 = arith.mulf %dot_general3A_41, %mul3A_44 : vector<1000x128xf32>
    %swap3A_46 = arith.constant 0 : index
    %swap3A_47 = arith.constant 0 : index
    %swap3A_48 = vector.load %arg7[%swap3A_46, %swap3A_47] : memref<1000x128xf32, #tpu.memory_space<vmem>>, vector<1000x128xf32>
    tpu.vector_store %arg7[%swap3A_46, %swap3A_47], %mul3A_45 {strides = array<i32>} : memref<1000x128xf32, #tpu.memory_space<vmem>>, vector<1000x128xf32>,
    return
  }
  func.func @transform_0(%arg0: i32) -> (i32, i32, i32) {
    %c0_i32 = arith.constant 0 : i32
    %c0_i32_0 = arith.constant 0 : i32
    %c0_i32_1 = arith.constant 0 : i32
    return %c0_i32, %arg0, %c0_i32_0 : i32, i32, i32
  }
  func.func @transform_1(%arg0: i32) -> (i32, i32, i32) {
    %c0_i32 = arith.constant 0 : i32
    %c0_i32_0 = arith.constant 0 : i32
    %c0_i32_1 = arith.constant 0 : i32
    return %c0_i32, %arg0, %c0_i32_0 : i32, i32, i32
  }
  func.func @transform_2(%arg0: i32) -> (i32, i32) {
    %c0_i32 = arith.constant 0 : i32
    %c0_i32_0 = arith.constant 0 : i32
    return %arg0, %c0_i32 : i32, i32
  }
  func.func @transform_3(%arg0: i32) -> (i32, i32) {
    %c0_i32 = arith.constant 0 : i32
    %c0_i32_0 = arith.constant 0 : i32
    %c0_i32_1 = arith.constant 0 : i32
    return %c0_i32, %c0_i32_0 : i32, i32
  }
  func.func @transform_4(%arg0: i32) -> (i32, i32) {
    %c0_i32 = arith.constant 0 : i32
    %c0_i32_0 = arith.constant 0 : i32
    %c0_i32_1 = arith.constant 0 : i32
    return %c0_i32, %c0_i32_0 : i32, i32
  }
  func.func @transform_5(%arg0: i32) -> (i32, i32) {
    %c0_i32 = arith.constant 0 : i32
    %c0_i32_0 = arith.constant 0 : i32
    return %arg0, %c0_i32 : i32, i32
  }
  func.func @transform_6(%arg0: i32) -> (i32, i32) {
    %c0_i32 = arith.constant 0 : i32
    %c0_i32_0 = arith.constant 0 : i32
    return %arg0, %c0_i32 : i32, i32
  }
}

module attributes {stable_mosaic.version = 14 : i64} {
  func.func @body(%arg0: i32, %arg1: memref<2x1000x16xf32, #tpu.memory_space<vmem>>, %arg2: memref<2x1000x128xf32, #tpu.memory_space<vmem>>, %arg3: memref<1000x128xf32, #tpu.memory_space<vmem>>, %arg4: memref<1x128xf32, #tpu.memory_space<vmem>>, %arg5: memref<1000x128xf32, #tpu.memory_space<vmem>>) attributes {dimension_semantics = [#tpu.dimension_semantics<arbitrary>], iteration_bounds = array<i64: 10>, scalar_prefetch = 0 : i64, scratch_operands = 0 : i64, tpu.core_type = #tpu.core_type<tc>, window_params = [{transform_indices = @transform_0, window_bounds = array<i64: 2, 1000, 16>}, {transform_indices = @transform_1, window_bounds = array<i64: 2, 1000, 128>}, {transform_indices = @transform_2, window_bounds = array<i64: 1000, 128>}, {pipeline_mode = #tpu.pipeline_mode<synchronous>, transform_indices = @transform_3, window_bounds = array<i64: 1, 128>}, {transform_indices = @transform_4, window_bounds = array<i64: 1000, 128>}]} {
    %get3A = arith.constant 0 : index
    %get3A_0 = arith.constant 0 : index
    %get3A_1 = arith.constant 0 : index
    %get3A_2 = vector.load %arg1[%get3A, %get3A_0, %get3A_1] : memref<2x1000x16xf32, #tpu.memory_space<vmem>>, vector<1x1000x1xf32>
    %get3A_3 = vector.shape_cast %get3A_2 : vector<1x1000x1xf32> to vector<1000x1xf32>
    %get3A_4 = arith.constant 1 : index
    %get3A_5 = arith.constant 0 : index
    %get3A_6 = arith.constant 0 : index
    %get3A_7 = vector.load %arg1[%get3A_4, %get3A_5, %get3A_6] : memref<2x1000x16xf32, #tpu.memory_space<vmem>>, vector<1x1000x1xf32>
    %get3A_8 = vector.shape_cast %get3A_7 : vector<1x1000x1xf32> to vector<1000x1xf32>
    %add3A = arith.addf %get3A_3, %get3A_8 : vector<1000x1xf32>
    %add3A_9 = arith.constant 1.000000e+00 : f32
    %add3A_10 = vector.broadcast %add3A_9 : f32 to vector<1000x1xf32>
    %add3A_11 = arith.addf %add3A, %add3A_10 : vector<1000x1xf32>
    %rsqrt3A = math.rsqrt %add3A_11 : vector<1000x1xf32>
    %get3A_12 = arith.constant 0 : index
    %get3A_13 = arith.constant 0 : index
    %get3A_14 = arith.constant 0 : index
    %get3A_15 = vector.load %arg2[%get3A_12, %get3A_13, %get3A_14] : memref<2x1000x128xf32, #tpu.memory_space<vmem>>, vector<1x1000x128xf32>
    %get3A_16 = vector.shape_cast %get3A_15 : vector<1x1000x128xf32> to vector<1000x128xf32>
    %get3A_17 = arith.constant 1 : index
    %get3A_18 = arith.constant 0 : index
    %get3A_19 = arith.constant 0 : index
    %get3A_20 = vector.load %arg2[%get3A_17, %get3A_18, %get3A_19] : memref<2x1000x128xf32, #tpu.memory_space<vmem>>, vector<1x1000x128xf32>
    %get3A_21 = vector.shape_cast %get3A_20 : vector<1x1000x128xf32> to vector<1000x128xf32>
    %add3A_22 = arith.addf %get3A_16, %get3A_21 : vector<1000x128xf32>
    %mul3A = vector.broadcast %rsqrt3A : vector<1000x1xf32> to vector<1000x128xf32>
    %mul3A_23 = arith.mulf %mul3A, %add3A_22 : vector<1000x128xf32>
    %mul3A_24 = arith.mulf %rsqrt3A, %rsqrt3A : vector<1000x1xf32>
    %get3A_25 = arith.constant 0 : index
    %get3A_26 = arith.constant 0 : index
    %get3A_27 = vector.load %arg3[%get3A_25, %get3A_26] : memref<1000x128xf32, #tpu.memory_space<vmem>>, vector<1000x128xf32>
    %mul3A_28 = vector.broadcast %mul3A_24 : vector<1000x1xf32> to vector<1000x128xf32>
    %mul3A_29 = arith.mulf %mul3A_28, %get3A_27 : vector<1000x128xf32>
    %add3A_30 = arith.addf %mul3A_23, %mul3A_29 : vector<1000x128xf32>
    %get3A_31 = arith.constant 0 : index
    %get3A_32 = arith.constant 0 : index
    %get3A_33 = vector.load %arg4[%get3A_31, %get3A_32] : memref<1x128xf32, #tpu.memory_space<vmem>>, vector<1x128xf32>
    %add3A_34 = vector.broadcast %get3A_33 : vector<1x128xf32> to vector<1000x128xf32>
    %add3A_35 = arith.addf %add3A_30, %add3A_34 : vector<1000x128xf32>
    %swap3A = arith.constant 0 : index
    %swap3A_36 = arith.constant 0 : index
    %swap3A_37 = vector.load %arg5[%swap3A, %swap3A_36] : memref<1000x128xf32, #tpu.memory_space<vmem>>, vector<1000x128xf32>
    tpu.vector_store %arg5[%swap3A, %swap3A_36], %add3A_35 {strides = array<i32>} : memref<1000x128xf32, #tpu.memory_space<vmem>>, vector<1000x128xf32>,
    return
  }
  func.func @transform_0(%arg0: i32) -> (i32, i32, i32) {
    %c0_i32 = arith.constant 0 : i32
    %c0_i32_0 = arith.constant 0 : i32
    %c0_i32_1 = arith.constant 0 : i32
    return %c0_i32, %arg0, %c0_i32_0 : i32, i32, i32
  }
  func.func @transform_1(%arg0: i32) -> (i32, i32, i32) {
    %c0_i32 = arith.constant 0 : i32
    %c0_i32_0 = arith.constant 0 : i32
    %c0_i32_1 = arith.constant 0 : i32
    return %c0_i32, %arg0, %c0_i32_0 : i32, i32, i32
  }
  func.func @transform_2(%arg0: i32) -> (i32, i32) {
    %c0_i32 = arith.constant 0 : i32
    %c0_i32_0 = arith.constant 0 : i32
    return %arg0, %c0_i32 : i32, i32
  }
  func.func @transform_3(%arg0: i32) -> (i32, i32) {
    %c0_i32 = arith.constant 0 : i32
    %c0_i32_0 = arith.constant 0 : i32
    %c0_i32_1 = arith.constant 0 : i32
    return %c0_i32, %c0_i32_0 : i32, i32
  }
  func.func @transform_4(%arg0: i32) -> (i32, i32) {
    %c0_i32 = arith.constant 0 : i32
    %c0_i32_0 = arith.constant 0 : i32
    return %arg0, %c0_i32 : i32, i32
  }
}

</mosaic_0001>

<sc_bundles>
// kernel: kernel.11.cloned.1.call-start
scs
__scs_entry_jumppad:
0x0: {  	(pc) =	sbr.rel $0x88, $3  }
0x1: {  	(tag) =	ssettag $0x0;
	lr =	simm.s32 $0x1  }
0x2: {  	[smem:$0x3F9B] =	sst lr;
	_ =	strace $0xD0000000  }
0x3: {  	_ = 	snop  }
0x4: {  	_ = 	snop  }
0x5: {  	_ = 	snop  }
0x6: {  	_ = 	snop  }
0x7: {  	_ = 	snop  }
__scs_overlays_trampoline_lowered:
0x8: {  	[smem:$0x3FAA] =	sst s0  }
0x9: {  	[smem:$0x3FAB] =	sst s1  }
0xa: {  	[smem:$0x3FAC] =	sst s2  }
0xb: {  	[smem:$0x3FAD] =	sst s3  }
0xc: {  	[smem:$0x3FAE] =	sst s4  }
0xd: {  	[smem:$0x3FAF] =	sst s5  }
0xe: {  	[smem:$0x3FB0] =	sst s6  }
0xf: {  	[smem:$0x3FB1] =	sst s7  }
0x10: {  	[smem:$0x3FB2] =	sst s8  }
0x11: {  	[smem:$0x3FB3] =	sst s9;
	s0 =	simm.s32 @!p0 $0x0  }
0x12: {  	s1 =	sld [smem:$0x3F99];
	s0 =	simm.s32 @p0 $0x1  }
0x13: {  	[smem:$0x3FB4] =	sst s0;
	s0 =	simm.s32 @!p1 $0x0  }
0x14: {  	s2 =	sld [smem:$0x3F98];
	s0 =	simm.s32 @p1 $0x1  }
0x15: {  	[smem:$0x3FB5] =	sst s0;
	s0 =	simm.s32 @!p2 $0x0  }
0x16: {  	s3 =	sld [smem:$0x3FDB];
	s0 =	simm.s32 @p2 $0x1  }
0x17: {  	s4 =	simm.s32 $0x1BF5;
	[smem:$0x3FB7] =	sst s0  }
0x18: {  	s0 =	sld [smem:$0x3F9A];
	_ =	swait.ge [sflag:s4], $0x0  }
0x19: {  	s7 =	sld [smem:$0x3F9B]  }
0x1a: {  	s8 =	sadd.s32 $0xFFFFE003, lr  }
0x1b: {  	s9 =	sadd.s32 $0xFFFFFEF7, lr;
	s5 =	simm.s32 $0xFFFFFFFF;
	p2 =	slt.u32 s8, $0xFFFFF086  }
0x1c: {  	p1 =	slt.u32 s9, $0xF7A;
	s5 =	simm.s32 @!p2 $0x0  }
0x1d: {  	s5 =	simm.s32 @p1 $0x1;
	p0 =	seq.s32 s7, s2  }
0x1e: {  	s7 =	smul.u32 @!p0 $0xF7A, s2;
	p2 =	seq.s32 @!p0 s5, $0x0  }
0x1f: {  	s9 =	smul.u32 $0xF7A, s1;
	s8 =	simm.s32 @!p0 $0x1BF5;
	p2 =	por !p2, p0  }
0x20: {  	[sflag:s8] =	ssyncset.s32 @!p0 $0xFFFFF086;
	s6 =	sadd.s32 @!p0 s3, s7;
	s7 =	simm.s32 @!p0 $0x108  }
0x21: {  	s3 =	sadd.s32 s3, s9;
	s6 =	sadd.s32 @!p0 $0x88, s6;
	s7 =	simm.s32 @p2 $0x1082  }
0x22: {  	[simem:s7], [sflag:s8] =	dma.local @!p0 [hbm:s6], $0xF7A  }
0x23: {  	s9 =	sor.u32 $0xD0000000, s2;
	s6 =	simm.s32 $0x108;
	_ =	swait.ge @!p0 [sflag:s8], $0x0  }
0x24: {  	s3 =	sadd.s32 $0x88, s3;
	s6 =	simm.s32 @!p1 $0x1082;
	[sflag:s4] =	ssyncset.s32 $0xFFFFF086  }
0x25: {  	[simem:s6], [sflag:s4] =	dma.local [hbm:s3], $0xF7A  }
0x26: {  	[smem:$0x3F9B] =	sst s1;
	(tag) =	ssettag s2;
	_ =	strace s9  }
0x27: {  	s1 =	sld [smem:$0x3FAB]  }
0x28: {  	s2 =	sld [smem:$0x3FAC]  }
0x29: {  	s4 =	sld [smem:$0x3FAE]  }
0x2a: {  	p0 =	seq.s32 s5, $0x0;
	s5 =	sld [smem:$0x3FAF]  }
0x2b: {  	s6 =	sld [smem:$0x3FB0]  }
0x2c: {  	s7 =	sld [smem:$0x3FB1]  }
0x2d: {  	s3 =	simm.s32 $0x108;
	s8 =	sld [smem:$0x3FB2]  }
0x2e: {  	s3 =	simm.s32 @!p0 $0x1082;
	s9 =	sld [smem:$0x3FB3]  }
0x2f: {  	lr =	sadd.s32 s0, s3;
	s0 =	sld [smem:$0x3FAA]  }
0x30: {  	s3 =	sld [smem:$0x3FAD]  }
0x31: {  	[smem:$0x3FB6] =	sst s10  }
0x32: {  	s10 =	sld [smem:$0x3FB4];
	_ =	sdelay $0x3  }
0x33: {  	p0 =	seq.s32 s10, $0x1;
	s10 =	sld [smem:$0x3FB6];
	_ =	sdelay $0x3  }
0x34: {  	[smem:$0x3FB6] =	sst s10  }
0x35: {  	s10 =	sld [smem:$0x3FB5];
	_ =	sdelay $0x3  }
0x36: {  	p1 =	seq.s32 s10, $0x1;
	s10 =	sld [smem:$0x3FB6];
	_ =	sdelay $0x3  }
0x37: {  	[smem:$0x3FB6] =	sst s10  }
0x38: {  	s10 =	sld [smem:$0x3FB7]  }
0x39: {  	_ = 	snop;
	(pc) =	sbr.ind lr, $3  }
0x3a: {  	_ = 	snop  }
0x3b: {  	_ = 	snop  }
0x3c: {  	p2 =	seq.s32 s10, $0x1;
	s10 =	sld [smem:$0x3FB6]  }
0x3d: {  	_ =	shalt  }
0x3e: {  	_ =	shalt  }
0x3f: {  	_ =	shalt  }
0x40: {  	_ =	shalt  }
0x41: {  	_ =	shalt  }
0x42: {  	_ =	shalt  }
0x43: {  	_ =	shalt  }
0x44: {  	_ =	shalt  }
0x45: {  	_ =	shalt  }
0x46: {  	_ =	shalt  }
0x47: {  	_ =	shalt  }
0x48: {  	_ =	shalt  }
0x49: {  	_ =	shalt  }
0x4a: {  	_ =	shalt  }
0x4b: {  	_ =	shalt  }
0x4c: {  	_ =	shalt  }
0x4d: {  	_ =	shalt  }
0x4e: {  	_ =	shalt  }
0x4f: {  	_ =	shalt  }
0x50: {  	_ =	shalt  }
0x51: {  	_ =	shalt  }
0x52: {  	_ =	shalt  }
0x53: {  	_ =	shalt  }
0x54: {  	_ =	shalt  }
0x55: {  	_ =	shalt  }
0x56: {  	_ =	shalt  }
0x57: {  	_ =	shalt  }
0x58: {  	_ =	shalt  }
0x59: {  	_ =	shalt  }
0x5a: {  	_ =	shalt  }
0x5b: {  	_ =	shalt  }
0x5c: {  	_ =	shalt  }
0x5d: {  	_ =	shalt  }
0x5e: {  	_ =	shalt  }
0x5f: {  	_ =	shalt  }
0x60: {  	_ =	shalt  }
0x61: {  	_ =	shalt  }
0x62: {  	_ =	shalt  }
0x63: {  	_ =	shalt  }
0x64: {  	_ =	shalt  }
0x65: {  	_ =	shalt  }
0x66: {  	_ =	shalt  }
0x67: {  	_ =	shalt  }
0x68: {  	_ =	shalt  }
0x69: {  	_ =	shalt  }
0x6a: {  	_ =	shalt  }
0x6b: {  	_ =	shalt  }
0x6c: {  	_ =	shalt  }
0x6d: {  	_ =	shalt  }
0x6e: {  	_ =	shalt  }
0x6f: {  	_ =	shalt  }
0x70: {  	_ =	shalt  }
0x71: {  	_ =	shalt  }
0x72: {  	_ =	shalt  }
0x73: {  	_ =	shalt  }
0x74: {  	_ =	shalt  }
0x75: {  	_ =	shalt  }
0x76: {  	_ =	shalt  }
0x77: {  	_ =	shalt  }
0x78: {  	_ =	shalt  }
0x79: {  	_ =	shalt  }
0x7a: {  	_ =	shalt  }
0x7b: {  	_ =	shalt  }
0x7c: {  	_ =	shalt  }
0x7d: {  	_ =	shalt  }
0x7e: {  	_ =	shalt  }
0x7f: {  	_ =	shalt  }
0x80: {  	_ =	shalt  }
0x81: {  	_ =	shalt  }
0x82: {  	_ =	shalt  }
0x83: {  	_ =	shalt  }
0x84: {  	_ =	shalt  }
0x85: {  	_ =	shalt  }
0x86: {  	_ =	shalt  }
0x87: {  	_ =	shalt  }
.Lfunc_end0:
.L_simem_size_0:
called_computation.1_lowered:
.L_overlay_start_0:
0x88: {  	s2 =	sld [smem:$0x3FD9]  }
0x89: {  	s3 =	sld [smem:$0x3FFE];
	_ =	sdelay $0x1  }
0x8a: {  	s1 =	srdreg.scid  }
0x8b: {  	s0 =	sand.u32 $0x1, s1  }
0x8c: {  	s17 =	sshll.u32 s0, $0xA;
	s2 =	sadd.s32 s3, s2  }
0x8d: {  	s2 =	sadd.s32 s2, s17  }
0x8e: {  	[smem:$0x3FC2] =	sst s2  }
0x8f: {  	_ = 	snop  }
0x90: {  	s2 =	sld [smem:$0x3FD0];
	(tm) =	ssettm $0x1  }
0x91: {  	s18 =	sld [smem:$0x3FFB];
	_ =	sdelay $0x3  }
0x92: {  	_ =	strace s18  }
0x93: {  	s3 =	sld [smem:$0x3FFC];
	_ =	sdelay $0x3  }
0x94: {  	_ =	strace s3  }
0x95: {  	s3 =	sld [smem:$0x3FFD];
	_ =	sdelay $0x3  }
0x96: {  	_ =	strace s3  }
0x97: {  	_ =	strace $0x8FFFFFFF  }
0x98: {  	s19 =	sld [smem:$0x3FDB];
	_ =	sdelay $0x1  }
0x99: {  	s4 =	simm.s32 $_scs_section_size  }
0x9a: {  	s5 =	simm.s32 $_size__tile_overlayer_lowered;
	s6 =	simm.s32 $_tile_overlayer_lowered  }
0x9b: {  	s22 =	simm.s32 $0x1BFF;
	s21 =	sshll.u32 s6, $0x1;
	s3 =	sadd.s32 s4, s19  }
0x9c: {  	s7 =	simm.s32 $0x0;
	s20 =	sshll.u32 s5, $0x1;
	s5 =	sadd.s32 s21, s3  }
0x9d: {  	[timem:s7], [sflag:s22] =	dma.local [hbm:s5], s20  }
0x9e: {  	_ =	swait.ge [sflag:s22], s20  }
0x9f: {  	s4 =	ssub.s32 $0x0, s20;
	[sflag:s22] =	ssyncset.done $0x0  }
0xa0: {  	[sflag:s22] =	ssyncadd.s32 s4;
	_ =	sdelay $0x1  }
0xa1: {  	s23 =	simm.s32 $0x1B8B  }
0xa2: {  	_ =	swait.ge [sflag:s23], $0x1  }
0xa3: {  	[sflag:s23] =	ssyncset.done $0x0  }
0xa4: {  	s25 =	simm.s32 $0x1B8E;
	s24 =	sld [smem:$0x3FFE];
	[sflag:s23] =	ssyncadd.s32 $0xFFFFFFFF  }
0xa5: {  	s26 =	simm.s32 $execute0_lowered;
	[smem:$0x3FD2] =	sst s25  }
0xa6: {  	s5 =	sshll.u32 s26, $0x1;
	_ =	strace $0x80000049;
	[dreg:$0x1] =	wrdreg $0xFFFFFFFF  }
0xa7: {  	s28 =	simm.s32 $_size_execute0_lowered;
	s3 =	sadd.s32 s3, s5;
	[dreg:$0x0] =	wrdreg $0x0  }
0xa8: {  	s5 =	sshll.u32 s28, $0x1;
	[dreg:$0x2] =	wrdreg s3  }
0xa9: {  	[dreg:$0x3] =	wrdreg s5  }
0xaa: {  	[dreg:$0x4] =	wrdreg $0xC0  }
0xab: {  	_ =	task [dreg:s7], $0x5FFFF  }
0xac: {  	[dreg:$0x1] =	wrdreg $0xFFFFFFFF  }
0xad: {  	[dreg:$0x0] =	wrdreg $0x60  }
0xae: {  	[dreg:$0x2] =	wrdreg s2  }
0xaf: {  	[dreg:$0x3] =	wrdreg s24  }
0xb0: {  	[dreg:$0x4] =	wrdreg $0x68000  }
0xb1: {  	[dreg:$0x5] =	wrdreg $0x9  }
0xb2: {  	_ =	task.clear_ibuf [dreg:s7], $0x6FFFF;
	_ =	strace $0x90000049  }
0xb3: {  	s29 =	simm.s32 $0x9;
	_ =	strace $0x8000004B  }
0xb4: {  	_ =	swait.ge [sflag:s29], $0x1  }
0xb5: {  	[sflag:s29] =	ssyncadd.s32 $0xFFFFFFFF  }
0xb6: {  	_ =	strace $0x9000004B  }
0xb7: {  	_ =	sfence  }
0xb8: {  	s30 =	sld [smem:$0x0];
	_ =	sdelay $0x2  }
0xb9: {  	s31 =	sshll.u32 s1, $0xD;
	s1 =	sshrl.u32 s1, $0x2  }
0xba: {  	s3 =	sand.u32 $0x4000, s31;
	s1 =	sadd.s32 s1, s30  }
0xbb: {  	s0 =	sor.u32 s3, s0;
	s1 =	sshll.u32 s1, $0x11  }
0xbc: {  	s0 =	sor.u32 s1, s0  }
0xbd: {  	s0 =	sadd.s32 $0x8F2B, s0  }
0xbe: {  	[sflag:s0] =	ssyncadd.remote.s32 $0x1  }
0xbf: {  	_ =	sfence.sel $0xFFFF  }
0xc0: {  	[dreg:$0x0] =	wrdreg $0xFFFFFFFF;
	(pc) =	sbr.abs _section_cstart, $3  }
0xc1: {  	[dreg:$0x1] =	wrdreg $0xFFFFFFFF  }
0xc2: {  	_ =	task.clear_ibuf [dreg:s7], $0x2FFFF;
	_ =	strace $0x9FFFFFFF  }
0xc3: {  	(tm) =	ssettm $0x7FFFFFFF  }
tec
execute0_lowered:
.L_overlay_start_1:
0x0: {  	(tag) =	ssettag $0x1  }
0x1: {  	s1 =	rddreg [dreg:$0x0]  }
0x2: {  	s0 =	rddreg [dreg:$0x1]  }
0x3: {  	s2 =	rddreg [dreg:$0x2];
	s3 =	simm.s32 $0x0  }
0x4: {  	s4 =	srdreg.scid;
	s24 =	stileid.u32;
	s28 =	simm.s32 $0x2  }
0x5: {  	s29 =	simm.s32 $0x2000;
	s30 =	simm.s32 $0x50;
	s31 =	simm.s32 $0x1  }
0x6: {  	[smem:$0x7FF] =	sst s3;
	s4 =	sand.u32 $0x1, s4;
	s26 =	smul.u32 $0x500, s24  }
0x7: {  	s7 =	sadd.s32 $0x50A00, s0;
	s18 =	sor.u32 $0x10, s24;
	s5 =	smul.u32 $0x27100, s4  }
0x8: {  	s8 =	sadd.s32 $0x60A00, s0;
	s19 =	sor.u32 $0x20, s24;
	s10 =	smul.u32 $0x500, s18  }
0x9: {  	s9 =	sshll.u32 s24, $0xC;
	s20 =	sor.u32 $0x40, s24;
	s11 =	smul.u32 $0x500, s19  }
0xa: {  	s21 =	sor.u32 $0x50, s24;
	s6 =	ssub.s32 $0x2, s4;
	s13 =	smul.u32 $0x500, s20  }
0xb: {  	s4 =	sshll.u32 s4, $0xB;
	s14 =	smul.u32 $0x500, s21;
	s22 =	sshrl.u32 s6, $0x1  }
0xc: {  	s4 =	sor.u32 s4, s9;
	s0 =	sadd.s32 s5, s0;
	s17 =	ssub.s32 s6, s22  }
0xd: {  	s23 =	sadd.s32 s7, s4;
	s25 =	sadd.s32 s8, s4;
	s4 =	sor.u32 $0x400, s4  }
0xe: {  	s5 =	sor.u32 $0x30, s24;
	s6 =	smul.u32 $0xA000, s18;
	[dreg:$0x4] =	wrdreg s23  }
0xf: {  	s22 =	sor.u32 $0x60, s24;
	[dreg:$0x5] =	wrdreg s25;
	s12 =	smul.u32 $0x500, s5  }
0x10: {  	s7 =	sadd.s32 s7, s4;
	s8 =	sadd.s32 s8, s4;
	s15 =	smul.u32 $0x500, s22  }
0x11: {  	s0 =	sadd.s32 $0x70A00, s0;
	s23 =	sor.u32 $0x70, s24;
	s24 =	smul.u32 $0xA000, s24  }
0x12: {  	s17 =	smax.u32 s17, $0x1;
	s4 =	smul.u32 $0xA000, s5;
	s9 =	sadd.s32 s0, s26  }
0x13: {  	s10 =	sadd.s32 s0, s10;
	s11 =	sadd.s32 s0, s11;
	s13 =	sadd.s32 s0, s13  }
0x14: {  	s16 =	smul.u32 $0x500, s23;
	s14 =	sadd.s32 s0, s14;
	_ =	strace $0x8000004A  }
0x15: {  	s26 =	smul.u32 $0xA000, s19;
	p0 =	sgt.u32 s23, $0x7D;
	s12 =	sadd.s32 s0, s12  }
0x16: {  	s15 =	sadd.s32 s0, s15;
	s25 =	sshrl.u32 s24, $0x2;
	s16 =	sadd.s32 s0, s16  }
0x17: {  	s18 =	sadd.s32 s25, s2;
	s0 =	sshrl.u32 s6, $0x2;
	s6 =	smul.u32 $0xA000, s20  }
0x18: {  	s5 =	sshrl.u32 s26, $0x2;
	s25 =	sshrl.u32 s4, $0x2;
	s26 =	smul.u32 $0xA000, s21  }
0x19: {  	p1 =	sgt.u32 s23, $0x7C;
	s21 =	sadd.s32 s25, s2;
	s25 =	smul.u32 $0xA000, s23  }
0x1a: {  	s20 =	sadd.s32 s5, s2;
	s5 =	sshrl.u32 s6, $0x2;
	s6 =	smul.u32 $0xA000, s22  }
0x1b: {  	s19 =	sadd.s32 s0, s2;
	s23 =	sshrl.u32 s26, $0x2;
	s22 =	sadd.s32 s5, s2  }
0x1c: {  	s23 =	sadd.s32 s23, s2;
	s26 =	sshrl.u32 s25, $0x2;
	s24 =	sshrl.u32 s6, $0x2  }
0x1d: {  	v0 =	vimm.f32 $0.0e+00;
	s25 =	sadd.s32 s26, s2;
	s26 =	simm.s32 $0x4000;
	s24 =	sadd.s32 s24, s2  }
.LBB2_1:
0x1e: {  	s0 =	simm.s32 $0x70;
	s4 =	simm.s32 $0x3C0  }
.LBB2_2:
0x1f: {  	p2 =	sne.s32 s4, $0x9FC0;
	[tilespmem:s0+$0x4000] =	vst v0  }
0x20: {  	[tilespmem:s0+$0x3F90] =	vst v0  }
0x21: {  	[tilespmem:s0+$0x3FA0] =	vst v0  }
.Ltmp0:
0x22: {  	[tilespmem:s0+$0x3FB0] =	vst v0;
	(pc) =	sbr.rel @p2 .LBB2_2-.Ltmp0, $4  }
0x23: {  	[tilespmem:s0+$0x3FC0] =	vst v0  }
0x24: {  	[tilespmem:s0+$0x3FD0] =	vst v0  }
0x25: {  	[tilespmem:s0+$0x3FE0] =	vst v0  }
0x26: {  	[tilespmem:s0+$0x3FF0] =	vst v0;
	s0 =	sshra.s32 s4, $0x2;
	s4 =	sadd.s32 $0x200, s4  }
0x27: {  	[tilespmem:s0+$0x4000] =	vst v0  }
0x28: {  	[tilespmem:s0+$0x3F90] =	vst v0  }
0x29: {  	[tilespmem:s0+$0x3FA0] =	vst v0  }
0x2a: {  	[tilespmem:s0+$0x3FB0] =	vst v0  }
0x2b: {  	[tilespmem:s0+$0x3FC0] =	vst v0  }
0x2c: {  	[tilespmem:s0+$0x3FD0] =	vst v0  }
0x2d: {  	[tilespmem:s0+$0x3FE0] =	vst v0  }
0x2e: {  	[tilespmem:s0+$0x3FF0] =	vst v0  }
0x2f: {  	[spmem:s18] =	stream.linear.scatter [tilespmem:s26], [sflag:$0x2], $0x2800, $0x38;
	[tilespmem:$0x1A300] =	vst v63  }
0x30: {  	_ =	swait.ge [sflag:s28], $0x2800  }
0x31: {  	[sflag:s28] =	ssyncset.done $0x0  }
0x32: {  	[sflag:s28] =	ssyncadd.s32 $0xFFFFD800  }
0x33: {  	[spmem:s19] =	stream.linear.scatter [tilespmem:s26], [sflag:$0x2], $0x2800, $0x38;
	[tilespmem:$0x1A300] =	vst v63  }
0x34: {  	_ =	swait.ge [sflag:s28], $0x2800  }
0x35: {  	[sflag:s28] =	ssyncset.done $0x0  }
0x36: {  	[sflag:s28] =	ssyncadd.s32 $0xFFFFD800  }
0x37: {  	[spmem:s20] =	stream.linear.scatter [tilespmem:s26], [sflag:$0x2], $0x2800, $0x38;
	[tilespmem:$0x1A300] =	vst v63  }
0x38: {  	_ =	swait.ge [sflag:s28], $0x2800  }
0x39: {  	[sflag:s28] =	ssyncset.done $0x0  }
0x3a: {  	[sflag:s28] =	ssyncadd.s32 $0xFFFFD800  }
0x3b: {  	[spmem:s21] =	stream.linear.scatter [tilespmem:s26], [sflag:$0x2], $0x2800, $0x38;
	[tilespmem:$0x1A300] =	vst v63  }
0x3c: {  	_ =	swait.ge [sflag:s28], $0x2800  }
0x3d: {  	[sflag:s28] =	ssyncset.done $0x0  }
0x3e: {  	[sflag:s28] =	ssyncadd.s32 $0xFFFFD800  }
0x3f: {  	[spmem:s22] =	stream.linear.scatter [tilespmem:s26], [sflag:$0x2], $0x2800, $0x38;
	[tilespmem:$0x1A300] =	vst v63  }
0x40: {  	_ =	swait.ge [sflag:s28], $0x2800  }
0x41: {  	[sflag:s28] =	ssyncset.done $0x0  }
0x42: {  	[sflag:s28] =	ssyncadd.s32 $0xFFFFD800  }
0x43: {  	[spmem:s23] =	stream.linear.scatter [tilespmem:s26], [sflag:$0x2], $0x2800, $0x38;
	[tilespmem:$0x1A300] =	vst v63  }
0x44: {  	_ =	swait.ge [sflag:s28], $0x2800  }
0x45: {  	[sflag:s28] =	ssyncset.done $0x0  }
0x46: {  	[sflag:s28] =	ssyncadd.s32 $0xFFFFD800  }
0x47: {  	[spmem:s24] =	stream.linear.scatter [tilespmem:s26], [sflag:$0x2], $0x2800, $0x38;
	[tilespmem:$0x1A300] =	vst v63  }
0x48: {  	_ =	swait.ge [sflag:s28], $0x2800  }
0x49: {  	[sflag:s28] =	ssyncset.done $0x0  }
0x4a: {  	s0 =	simm.s32 @!p0 $0x4000;
	[sflag:s28] =	ssyncadd.s32 $0xFFFFD800  }
0x4b: {  	[spmem:s25] =	stream.linear.scatter @!p0 [tilespmem:s0], [sflag:$0x2], $0x2800, $0x38;
	[tilespmem:$0x1A300] =	vst v63  }
0x4c: {  	s0 =	simm.s32 @!p0 $0x2  }
0x4d: {  	_ =	swait.ge @!p0 [sflag:s0], $0x2800  }
0x4e: {  	[sflag:s0] =	ssyncset.done @!p0 $0x0  }
0x4f: {  	[sflag:s0] =	ssyncadd.s32 @!p0 $0xFFFFD800  }
0x50: {  	[bflag:$0x0] =	sbarrier.arrive $0xFFFF  }
0x51: {  	s5 =	simm.s32 $0x0;
	s4 =	rddreg [dreg:$0x4]  }
0x52: {  	[tilespmem:s5], [sflag:$0x2] =	stream.linear.gather [hbm4b:s4+s5], $0x2000, $0x38;
	[tilespmem:$0x1A300] =	vst v63  }
0x53: {  	_ =	swait.ge [sflag:s28], $0x2000  }
0x54: {  	[sflag:s28] =	ssyncset.done $0x0  }
0x55: {  	s6 =	rddreg [dreg:$0x5];
	[sflag:s28] =	ssyncadd.s32 $0xFFFFE000  }
0x56: {  	[tilespmem:s29], [sflag:$0x2] =	stream.linear.gather [hbm4b:s6+s5], $0x2000, $0x38;
	[tilespmem:$0x1A300] =	vst v63  }
0x57: {  	_ =	swait.ge [sflag:s28], $0x2000  }
0x58: {  	[sflag:s28] =	ssyncset.done $0x0  }
0x59: {  	s5 =	simm.s32 $0x0;
	[sflag:s28] =	ssyncadd.s32 $0xFFFFE000  }
0x5a: {  	[tilespmem:s26], [sflag:$0x1] =	stream.indirect.gather [hbm4b:s1+s30], $0x80, s5, s30, $0xb8;
	[tilespmem:$0x1A300] =	vst v63  }
0x5b: {  	_ =	swait.ge [sflag:s31], $0x2800  }
0x5c: {  	[sflag:s31] =	ssyncset.done $0x0  }
0x5d: {  	s6 =	simm.s32 $0x2000;
	[sflag:s31] =	ssyncadd.s32 $0xFFFFD800  }
0x5e: {  	[spmem:s2] =	stream.indirect.scatter.add.f32 [tilespmem:s26], [sflag:$0x2], $0x80, s6, s30, $0xb8;
	[tilespmem:$0x1A300] =	vst v63  }
0x5f: {  	_ =	swait.ge [sflag:s28], $0x2800  }
0x60: {  	s0 =	simm.s32 $0x200;
	s4 =	simm.s32 $0x400;
	[sflag:s28] =	ssyncset.done $0x0  }
.LBB2_4:
0x61: {  	s5 =	sshra.s32 s0, $0x2  }
0x62: {  	[sflag:s28] =	ssyncadd.s32 $0xFFFFD800;
	s0 =	smov.u32 s4;
	s6 =	sadd.s32 $0x200, s4  }
0x63: {  	[tilespmem:s26], [sflag:$0x1] =	stream.indirect.gather [hbm4b:s1+s30], $0x80, s5, s30, $0xb8;
	[tilespmem:$0x1A300] =	vst v63  }
0x64: {  	p2 =	sne.s32 s4, $0x7E00;
	_ =	swait.ge [sflag:s31], $0x2800  }
.Ltmp1:
0x65: {  	[sflag:s31] =	ssyncset.done $0x0;
	(pc) =	sbr.rel @p2 .LBB2_4-.Ltmp1, $4  }
0x66: {  	s4 =	sadd.s32 $0x2000, s5;
	[sflag:s31] =	ssyncadd.s32 $0xFFFFD800  }
0x67: {  	[spmem:s2] =	stream.indirect.scatter.add.f32 [tilespmem:s26], [sflag:$0x2], $0x80, s4, s30, $0xb8;
	[tilespmem:$0x1A300] =	vst v63  }
0x68: {  	_ =	swait.ge [sflag:s28], $0x2800  }
0x69: {  	s4 =	smov.u32 s6;
	[sflag:s28] =	ssyncset.done $0x0  }
0x6a: {  	s0 =	sshra.s32 s0, $0x2;
	[sflag:s28] =	ssyncadd.s32 $0xFFFFD800  }
0x6b: {  	[tilespmem:s26], [sflag:$0x1] =	stream.indirect.gather [hbm4b:s1+s30], $0x80, s0, s30, $0xb8;
	[tilespmem:$0x1A300] =	vst v63  }
0x6c: {  	_ =	swait.ge [sflag:s31], $0x2800  }
0x6d: {  	[sflag:s31] =	ssyncset.done $0x0  }
0x6e: {  	s0 =	sadd.s32 $0x2000, s0;
	[sflag:s31] =	ssyncadd.s32 $0xFFFFD800  }
0x6f: {  	[spmem:s2] =	stream.indirect.scatter.add.f32 [tilespmem:s26], [sflag:$0x2], $0x80, s0, s30, $0xb8;
	[tilespmem:$0x1A300] =	vst v63  }
0x70: {  	_ =	swait.ge [sflag:s28], $0x2800  }
0x71: {  	[sflag:s28] =	ssyncset.done $0x0  }
0x72: {  	s4 =	simm.s32 $0x0;
	[sflag:s28] =	ssyncadd.s32 $0xFFFFD800  }
0x73: {  	[tilespmem:s4], [sflag:$0x2] =	stream.linear.gather [hbm4b:s7+s4], $0x2000, $0x38;
	[tilespmem:$0x1A300] =	vst v63  }
0x74: {  	_ =	swait.ge [sflag:s28], $0x2000  }
0x75: {  	[sflag:s28] =	ssyncset.done $0x0  }
0x76: {  	[sflag:s28] =	ssyncadd.s32 $0xFFFFE000  }
0x77: {  	[tilespmem:s29], [sflag:$0x2] =	stream.linear.gather [hbm4b:s8+s4], $0x2000, $0x38;
	[tilespmem:$0x1A300] =	vst v63  }
0x78: {  	_ =	swait.ge [sflag:s28], $0x2000  }
0x79: {  	[sflag:s28] =	ssyncset.done $0x0  }
0x7a: {  	s5 =	simm.s32 $0x0;
	[sflag:s28] =	ssyncadd.s32 $0xFFFFE000  }
0x7b: {  	[tilespmem:s26], [sflag:$0x1] =	stream.indirect.gather [hbm4b:s1+s30], $0x80, s5, s30, $0xb8;
	[tilespmem:$0x1A300] =	vst v63  }
0x7c: {  	_ =	swait.ge [sflag:s31], $0x2800  }
0x7d: {  	[sflag:s31] =	ssyncset.done $0x0  }
0x7e: {  	s6 =	simm.s32 $0x2000;
	[sflag:s31] =	ssyncadd.s32 $0xFFFFD800  }
0x7f: {  	[spmem:s2] =	stream.indirect.scatter.add.f32 [tilespmem:s26], [sflag:$0x2], $0x80, s6, s30, $0xb8;
	[tilespmem:$0x1A300] =	vst v63  }
0x80: {  	_ =	swait.ge [sflag:s28], $0x2800  }
0x81: {  	s0 =	simm.s32 $0x200;
	s4 =	simm.s32 $0x400;
	[sflag:s28] =	ssyncset.done $0x0  }
.LBB2_6:
0x82: {  	s5 =	sshra.s32 s0, $0x2  }
0x83: {  	[sflag:s28] =	ssyncadd.s32 $0xFFFFD800;
	s0 =	smov.u32 s4;
	s6 =	sadd.s32 $0x200, s4  }
0x84: {  	[tilespmem:s26], [sflag:$0x1] =	stream.indirect.gather [hbm4b:s1+s30], $0x80, s5, s30, $0xb8;
	[tilespmem:$0x1A300] =	vst v63  }
0x85: {  	p2 =	sne.s32 s4, $0x7E00;
	_ =	swait.ge [sflag:s31], $0x2800  }
.Ltmp2:
0x86: {  	[sflag:s31] =	ssyncset.done $0x0;
	(pc) =	sbr.rel @p2 .LBB2_6-.Ltmp2, $4  }
0x87: {  	s4 =	sadd.s32 $0x2000, s5;
	[sflag:s31] =	ssyncadd.s32 $0xFFFFD800  }
0x88: {  	[spmem:s2] =	stream.indirect.scatter.add.f32 [tilespmem:s26], [sflag:$0x2], $0x80, s4, s30, $0xb8;
	[tilespmem:$0x1A300] =	vst v63  }
0x89: {  	_ =	swait.ge [sflag:s28], $0x2800  }
0x8a: {  	s4 =	smov.u32 s6;
	[sflag:s28] =	ssyncset.done $0x0  }
0x8b: {  	s0 =	sshra.s32 s0, $0x2;
	[sflag:s28] =	ssyncadd.s32 $0xFFFFD800  }
0x8c: {  	[tilespmem:s26], [sflag:$0x1] =	stream.indirect.gather [hbm4b:s1+s30], $0x80, s0, s30, $0xb8;
	[tilespmem:$0x1A300] =	vst v63  }
0x8d: {  	_ =	swait.ge [sflag:s31], $0x2800  }
0x8e: {  	[sflag:s31] =	ssyncset.done $0x0  }
0x8f: {  	s0 =	sadd.s32 $0x2000, s0;
	[sflag:s31] =	ssyncadd.s32 $0xFFFFD800  }
0x90: {  	[spmem:s2] =	stream.indirect.scatter.add.f32 [tilespmem:s26], [sflag:$0x2], $0x80, s0, s30, $0xb8;
	[tilespmem:$0x1A300] =	vst v63  }
0x91: {  	_ =	swait.ge [sflag:s28], $0x2800  }
0x92: {  	s4 =	stileid.u32;
	[sflag:s28] =	ssyncset.done $0x0  }
0x93: {  	s0 =	sshll.u32 s4, $0x6;
	[sflag:s28] =	ssyncadd.s32 $0xFFFFD800  }
0x94: {  	s4 =	sshrl.u32 s18, $0x3;
	s0 =	sor.u32 $0x1C02, s0;
	[bflag:$0x0] =	sbarrier.arrive $0xFFFF  }
0x95: {  	[hbm:s9], [sflag:s0] =	dma.local [spmem:s4], $0x500  }
0x96: {  	_ =	swait.ge [sflag:s28], $0x500  }
0x97: {  	[sflag:s28] =	ssyncset.done $0x0  }
0x98: {  	s5 =	sshrl.u32 s19, $0x3;
	[sflag:s28] =	ssyncadd.s32 $0xFFFFFB00  }
0x99: {  	[hbm:s10], [sflag:s0] =	dma.local [spmem:s5], $0x500  }
0x9a: {  	_ =	swait.ge [sflag:s28], $0x500  }
0x9b: {  	[sflag:s28] =	ssyncset.done $0x0  }
0x9c: {  	s6 =	sshrl.u32 s20, $0x3;
	[sflag:s28] =	ssyncadd.s32 $0xFFFFFB00  }
0x9d: {  	[hbm:s11], [sflag:s0] =	dma.local [spmem:s6], $0x500  }
0x9e: {  	_ =	swait.ge [sflag:s28], $0x500  }
0x9f: {  	[sflag:s28] =	ssyncset.done $0x0  }
0xa0: {  	s5 =	sshrl.u32 s21, $0x3;
	[sflag:s28] =	ssyncadd.s32 $0xFFFFFB00  }
0xa1: {  	[hbm:s12], [sflag:s0] =	dma.local [spmem:s5], $0x500  }
0xa2: {  	_ =	swait.ge [sflag:s28], $0x500  }
0xa3: {  	[sflag:s28] =	ssyncset.done $0x0  }
0xa4: {  	s6 =	sshrl.u32 s22, $0x3;
	[sflag:s28] =	ssyncadd.s32 $0xFFFFFB00  }
0xa5: {  	[hbm:s13], [sflag:s0] =	dma.local [spmem:s6], $0x500  }
0xa6: {  	_ =	swait.ge [sflag:s28], $0x500  }
0xa7: {  	[sflag:s28] =	ssyncset.done $0x0  }
0xa8: {  	s5 =	sshrl.u32 s23, $0x3;
	[sflag:s28] =	ssyncadd.s32 $0xFFFFFB00  }
0xa9: {  	[hbm:s14], [sflag:s0] =	dma.local [spmem:s5], $0x500  }
0xaa: {  	_ =	swait.ge [sflag:s28], $0x500  }
0xab: {  	[sflag:s28] =	ssyncset.done $0x0  }
0xac: {  	s6 =	sshrl.u32 s24, $0x3;
	[sflag:s28] =	ssyncadd.s32 $0xFFFFFB00  }
0xad: {  	[hbm:s15], [sflag:s0] =	dma.local [spmem:s6], $0x500  }
0xae: {  	_ =	swait.ge [sflag:s28], $0x500  }
0xaf: {  	s3 =	sadd.s32 $0x1, s3;
	[sflag:s28] =	ssyncset.done $0x0  }
0xb0: {  	p2 =	sne.s32 s3, s17;
	s4 =	sshrl.u32 @!p1 s25, $0x3;
	[sflag:s28] =	ssyncadd.s32 $0xFFFFFB00  }
0xb1: {  	[hbm:s16], [sflag:s0] =	dma.local @!p1 [spmem:s4], $0x500  }
.Ltmp3:
0xb2: {  	_ = 	snop;
	(pc) =	sbr.rel @p2 .LBB2_1-.Ltmp3, $4  }
0xb3: {  	s0 =	simm.s32 @!p1 $0x2  }
0xb4: {  	_ =	swait.ge @!p1 [sflag:s0], $0x500  }
0xb5: {  	[sflag:s0] =	ssyncset.done @!p1 $0x0  }
0xb6: {  	[sflag:s0] =	ssyncadd.s32 @!p1 $0xFFFFFB00  }
0xb7: {  	_ =	sfence.sel $0x180000  }
0xb8: {  	[bflag:$0x0] =	sbarrier.arrive $0xFFFF  }
0xb9: {  	_ =	strace $0x9000004A  }
0xba: {  	s0 =	stileid.u32;
	[bflag:$0x2] =	sbarrier.arrive $0xFFFF  }
0xbb: {  	p0 =	sne.s32 s0, $0x0;
	s0 =	rddreg [dreg:$0x3]  }
0xbc: {  	s0 =	sadd.s32 @!p0 $0x100000, s0  }
0xbd: {  	[sflag:s0] =	ssyncadd.tile.s32 @!p0 $0x1;
	_ =	shalt  }
.Lfunc_end2:
_tile_overlayer_lowered:
.L_overlay_start_2:
0xbe: {  	(tag) =	ssettag $0x2  }
0xbf: {  	s0 =	rddreg [dreg:$0x0];
	s2 =	stileid.u32  }
0xc0: {  	s1 =	rddreg [dreg:$0x1];
	p0 =	sne.s32 s2, $0x0  }
0xc1: {  	s3 =	rddreg [dreg:$0x2];
	[bflag:$0x3] =	sbarrier.arrive $0xFFFF;
	s2 =	simm.s32 @!p0 $0x1C02  }
0xc2: {  	[timem:s3], [sflag:s2] =	dma.local @!p0 [hbm:s0], s1  }
0xc3: {  	s0 =	simm.s32 @!p0 $0x2  }
0xc4: {  	_ =	swait.ge @!p0 [sflag:s0], s1  }
0xc5: {  	s1 =	ssub.s32 @!p0 $0x0, s1;
	[sflag:s0] =	ssyncset.done @!p0 $0x0  }
0xc6: {  	[sflag:s0] =	ssyncadd.s32 @!p0 s1  }
0xc7: {  	[bflag:$0x3] =	sbarrier.arrive $0xFFFF  }
0xc8: {  	_ =	shalt  }

// kernel: kernel.14.cloned.1.call-start
scs
__scs_entry_jumppad:
0x0: {  	(pc) =	sbr.rel $0x88, $3  }
0x1: {  	(tag) =	ssettag $0x0;
	lr =	simm.s32 $0x1  }
0x2: {  	[smem:$0x3F9B] =	sst lr;
	_ =	strace $0xD0000000  }
0x3: {  	_ = 	snop  }
0x4: {  	_ = 	snop  }
0x5: {  	_ = 	snop  }
0x6: {  	_ = 	snop  }
0x7: {  	_ = 	snop  }
__scs_overlays_trampoline_lowered:
0x8: {  	[smem:$0x3FAA] =	sst s0  }
0x9: {  	[smem:$0x3FAB] =	sst s1  }
0xa: {  	[smem:$0x3FAC] =	sst s2  }
0xb: {  	[smem:$0x3FAD] =	sst s3  }
0xc: {  	[smem:$0x3FAE] =	sst s4  }
0xd: {  	[smem:$0x3FAF] =	sst s5  }
0xe: {  	[smem:$0x3FB0] =	sst s6  }
0xf: {  	[smem:$0x3FB1] =	sst s7  }
0x10: {  	[smem:$0x3FB2] =	sst s8  }
0x11: {  	[smem:$0x3FB3] =	sst s9;
	s0 =	simm.s32 @!p0 $0x0  }
0x12: {  	s1 =	sld [smem:$0x3F99];
	s0 =	simm.s32 @p0 $0x1  }
0x13: {  	[smem:$0x3FB4] =	sst s0;
	s0 =	simm.s32 @!p1 $0x0  }
0x14: {  	s2 =	sld [smem:$0x3F98];
	s0 =	simm.s32 @p1 $0x1  }
0x15: {  	[smem:$0x3FB5] =	sst s0;
	s0 =	simm.s32 @!p2 $0x0  }
0x16: {  	s3 =	sld [smem:$0x3FDB];
	s0 =	simm.s32 @p2 $0x1  }
0x17: {  	s4 =	simm.s32 $0x1BF5;
	[smem:$0x3FB7] =	sst s0  }
0x18: {  	s0 =	sld [smem:$0x3F9A];
	_ =	swait.ge [sflag:s4], $0x0  }
0x19: {  	s7 =	sld [smem:$0x3F9B]  }
0x1a: {  	s8 =	sadd.s32 $0xFFFFE003, lr  }
0x1b: {  	s9 =	sadd.s32 $0xFFFFFEF7, lr;
	s5 =	simm.s32 $0xFFFFFFFF;
	p2 =	slt.u32 s8, $0xFFFFF086  }
0x1c: {  	p1 =	slt.u32 s9, $0xF7A;
	s5 =	simm.s32 @!p2 $0x0  }
0x1d: {  	s5 =	simm.s32 @p1 $0x1;
	p0 =	seq.s32 s7, s2  }
0x1e: {  	s7 =	smul.u32 @!p0 $0xF7A, s2;
	p2 =	seq.s32 @!p0 s5, $0x0  }
0x1f: {  	s9 =	smul.u32 $0xF7A, s1;
	s8 =	simm.s32 @!p0 $0x1BF5;
	p2 =	por !p2, p0  }
0x20: {  	[sflag:s8] =	ssyncset.s32 @!p0 $0xFFFFF086;
	s6 =	sadd.s32 @!p0 s3, s7;
	s7 =	simm.s32 @!p0 $0x108  }
0x21: {  	s3 =	sadd.s32 s3, s9;
	s6 =	sadd.s32 @!p0 $0x88, s6;
	s7 =	simm.s32 @p2 $0x1082  }
0x22: {  	[simem:s7], [sflag:s8] =	dma.local @!p0 [hbm:s6], $0xF7A  }
0x23: {  	s9 =	sor.u32 $0xD0000000, s2;
	s6 =	simm.s32 $0x108;
	_ =	swait.ge @!p0 [sflag:s8], $0x0  }
0x24: {  	s3 =	sadd.s32 $0x88, s3;
	s6 =	simm.s32 @!p1 $0x1082;
	[sflag:s4] =	ssyncset.s32 $0xFFFFF086  }
0x25: {  	[simem:s6], [sflag:s4] =	dma.local [hbm:s3], $0xF7A  }
0x26: {  	[smem:$0x3F9B] =	sst s1;
	(tag) =	ssettag s2;
	_ =	strace s9  }
0x27: {  	s1 =	sld [smem:$0x3FAB]  }
0x28: {  	s2 =	sld [smem:$0x3FAC]  }
0x29: {  	s4 =	sld [smem:$0x3FAE]  }
0x2a: {  	p0 =	seq.s32 s5, $0x0;
	s5 =	sld [smem:$0x3FAF]  }
0x2b: {  	s6 =	sld [smem:$0x3FB0]  }
0x2c: {  	s7 =	sld [smem:$0x3FB1]  }
0x2d: {  	s3 =	simm.s32 $0x108;
	s8 =	sld [smem:$0x3FB2]  }
0x2e: {  	s3 =	simm.s32 @!p0 $0x1082;
	s9 =	sld [smem:$0x3FB3]  }
0x2f: {  	lr =	sadd.s32 s0, s3;
	s0 =	sld [smem:$0x3FAA]  }
0x30: {  	s3 =	sld [smem:$0x3FAD]  }
0x31: {  	[smem:$0x3FB6] =	sst s10  }
0x32: {  	s10 =	sld [smem:$0x3FB4];
	_ =	sdelay $0x3  }
0x33: {  	p0 =	seq.s32 s10, $0x1;
	s10 =	sld [smem:$0x3FB6];
	_ =	sdelay $0x3  }
0x34: {  	[smem:$0x3FB6] =	sst s10  }
0x35: {  	s10 =	sld [smem:$0x3FB5];
	_ =	sdelay $0x3  }
0x36: {  	p1 =	seq.s32 s10, $0x1;
	s10 =	sld [smem:$0x3FB6];
	_ =	sdelay $0x3  }
0x37: {  	[smem:$0x3FB6] =	sst s10  }
0x38: {  	s10 =	sld [smem:$0x3FB7]  }
0x39: {  	_ = 	snop;
	(pc) =	sbr.ind lr, $3  }
0x3a: {  	_ = 	snop  }
0x3b: {  	_ = 	snop  }
0x3c: {  	p2 =	seq.s32 s10, $0x1;
	s10 =	sld [smem:$0x3FB6]  }
0x3d: {  	_ =	shalt  }
0x3e: {  	_ =	shalt  }
0x3f: {  	_ =	shalt  }
0x40: {  	_ =	shalt  }
0x41: {  	_ =	shalt  }
0x42: {  	_ =	shalt  }
0x43: {  	_ =	shalt  }
0x44: {  	_ =	shalt  }
0x45: {  	_ =	shalt  }
0x46: {  	_ =	shalt  }
0x47: {  	_ =	shalt  }
0x48: {  	_ =	shalt  }
0x49: {  	_ =	shalt  }
0x4a: {  	_ =	shalt  }
0x4b: {  	_ =	shalt  }
0x4c: {  	_ =	shalt  }
0x4d: {  	_ =	shalt  }
0x4e: {  	_ =	shalt  }
0x4f: {  	_ =	shalt  }
0x50: {  	_ =	shalt  }
0x51: {  	_ =	shalt  }
0x52: {  	_ =	shalt  }
0x53: {  	_ =	shalt  }
0x54: {  	_ =	shalt  }
0x55: {  	_ =	shalt  }
0x56: {  	_ =	shalt  }
0x57: {  	_ =	shalt  }
0x58: {  	_ =	shalt  }
0x59: {  	_ =	shalt  }
0x5a: {  	_ =	shalt  }
0x5b: {  	_ =	shalt  }
0x5c: {  	_ =	shalt  }
0x5d: {  	_ =	shalt  }
0x5e: {  	_ =	shalt  }
0x5f: {  	_ =	shalt  }
0x60: {  	_ =	shalt  }
0x61: {  	_ =	shalt  }
0x62: {  	_ =	shalt  }
0x63: {  	_ =	shalt  }
0x64: {  	_ =	shalt  }
0x65: {  	_ =	shalt  }
0x66: {  	_ =	shalt  }
0x67: {  	_ =	shalt  }
0x68: {  	_ =	shalt  }
0x69: {  	_ =	shalt  }
0x6a: {  	_ =	shalt  }
0x6b: {  	_ =	shalt  }
0x6c: {  	_ =	shalt  }
0x6d: {  	_ =	shalt  }
0x6e: {  	_ =	shalt  }
0x6f: {  	_ =	shalt  }
0x70: {  	_ =	shalt  }
0x71: {  	_ =	shalt  }
0x72: {  	_ =	shalt  }
0x73: {  	_ =	shalt  }
0x74: {  	_ =	shalt  }
0x75: {  	_ =	shalt  }
0x76: {  	_ =	shalt  }
0x77: {  	_ =	shalt  }
0x78: {  	_ =	shalt  }
0x79: {  	_ =	shalt  }
0x7a: {  	_ =	shalt  }
0x7b: {  	_ =	shalt  }
0x7c: {  	_ =	shalt  }
0x7d: {  	_ =	shalt  }
0x7e: {  	_ =	shalt  }
0x7f: {  	_ =	shalt  }
0x80: {  	_ =	shalt  }
0x81: {  	_ =	shalt  }
0x82: {  	_ =	shalt  }
0x83: {  	_ =	shalt  }
0x84: {  	_ =	shalt  }
0x85: {  	_ =	shalt  }
0x86: {  	_ =	shalt  }
0x87: {  	_ =	shalt  }
.Lfunc_end0:
.L_simem_size_0:
called_computation.2_lowered:
.L_overlay_start_0:
0x88: {  	s2 =	sld [smem:$0x3FD9]  }
0x89: {  	s3 =	sld [smem:$0x3FFE];
	_ =	sdelay $0x1  }
0x8a: {  	s1 =	srdreg.scid  }
0x8b: {  	s0 =	sand.u32 $0x1, s1  }
0x8c: {  	s17 =	sshll.u32 s0, $0xA;
	s2 =	sadd.s32 s3, s2  }
0x8d: {  	s2 =	sadd.s32 s2, s17  }
0x8e: {  	[smem:$0x3FC2] =	sst s2  }
0x8f: {  	_ = 	snop  }
0x90: {  	s2 =	sld [smem:$0x3FD0];
	(tm) =	ssettm $0x1  }
0x91: {  	s18 =	sld [smem:$0x3FFB];
	_ =	sdelay $0x3  }
0x92: {  	_ =	strace s18  }
0x93: {  	s3 =	sld [smem:$0x3FFC];
	_ =	sdelay $0x3  }
0x94: {  	_ =	strace s3  }
0x95: {  	s3 =	sld [smem:$0x3FFD];
	_ =	sdelay $0x3  }
0x96: {  	_ =	strace s3  }
0x97: {  	_ =	strace $0x8FFFFFFF  }
0x98: {  	s19 =	sld [smem:$0x3FDB];
	_ =	sdelay $0x1  }
0x99: {  	s4 =	simm.s32 $_scs_section_size  }
0x9a: {  	s5 =	simm.s32 $_size__tile_overlayer_lowered;
	s6 =	simm.s32 $_tile_overlayer_lowered  }
0x9b: {  	s22 =	simm.s32 $0x1BFF;
	s21 =	sshll.u32 s6, $0x1;
	s3 =	sadd.s32 s4, s19  }
0x9c: {  	s7 =	simm.s32 $0x0;
	s20 =	sshll.u32 s5, $0x1;
	s5 =	sadd.s32 s21, s3  }
0x9d: {  	[timem:s7], [sflag:s22] =	dma.local [hbm:s5], s20  }
0x9e: {  	_ =	swait.ge [sflag:s22], s20  }
0x9f: {  	s4 =	ssub.s32 $0x0, s20;
	[sflag:s22] =	ssyncset.done $0x0  }
0xa0: {  	[sflag:s22] =	ssyncadd.s32 s4;
	_ =	sdelay $0x1  }
0xa1: {  	s23 =	simm.s32 $0x1B8B  }
0xa2: {  	_ =	swait.ge [sflag:s23], $0x1  }
0xa3: {  	[sflag:s23] =	ssyncset.done $0x0  }
0xa4: {  	s25 =	simm.s32 $0x1B8E;
	s24 =	sld [smem:$0x3FFE];
	[sflag:s23] =	ssyncadd.s32 $0xFFFFFFFF  }
0xa5: {  	s26 =	simm.s32 $execute0_lowered;
	[smem:$0x3FD2] =	sst s25  }
0xa6: {  	s5 =	sshll.u32 s26, $0x1;
	_ =	strace $0x8000004C;
	[dreg:$0x1] =	wrdreg $0xFFFFFFFF  }
0xa7: {  	s28 =	simm.s32 $_size_execute0_lowered;
	s3 =	sadd.s32 s3, s5;
	[dreg:$0x0] =	wrdreg $0x0  }
0xa8: {  	s5 =	sshll.u32 s28, $0x1;
	[dreg:$0x2] =	wrdreg s3  }
0xa9: {  	[dreg:$0x3] =	wrdreg s5  }
0xaa: {  	[dreg:$0x4] =	wrdreg $0xC0  }
0xab: {  	_ =	task [dreg:s7], $0x5FFFF  }
0xac: {  	[dreg:$0x1] =	wrdreg $0xFFFFFFFF  }
0xad: {  	[dreg:$0x0] =	wrdreg $0x60  }
0xae: {  	[dreg:$0x2] =	wrdreg s2  }
0xaf: {  	[dreg:$0x3] =	wrdreg s24  }
0xb0: {  	[dreg:$0x4] =	wrdreg $0x68000  }
0xb1: {  	[dreg:$0x5] =	wrdreg $0x9  }
0xb2: {  	_ =	task.clear_ibuf [dreg:s7], $0x6FFFF;
	_ =	strace $0x9000004C  }
0xb3: {  	s29 =	simm.s32 $0x9;
	_ =	strace $0x8000004E  }
0xb4: {  	_ =	swait.ge [sflag:s29], $0x1  }
0xb5: {  	[sflag:s29] =	ssyncadd.s32 $0xFFFFFFFF  }
0xb6: {  	_ =	strace $0x9000004E  }
0xb7: {  	_ =	sfence  }
0xb8: {  	s30 =	sld [smem:$0x0];
	_ =	sdelay $0x2  }
0xb9: {  	s31 =	sshll.u32 s1, $0xD;
	s1 =	sshrl.u32 s1, $0x2  }
0xba: {  	s3 =	sand.u32 $0x4000, s31;
	s1 =	sadd.s32 s1, s30  }
0xbb: {  	s0 =	sor.u32 s3, s0;
	s1 =	sshll.u32 s1, $0x11  }
0xbc: {  	s0 =	sor.u32 s1, s0  }
0xbd: {  	s0 =	sadd.s32 $0x8F2B, s0  }
0xbe: {  	[sflag:s0] =	ssyncadd.remote.s32 $0x1  }
0xbf: {  	_ =	sfence.sel $0xFFFF  }
0xc0: {  	[dreg:$0x0] =	wrdreg $0xFFFFFFFF;
	(pc) =	sbr.abs _section_cstart, $3  }
0xc1: {  	[dreg:$0x1] =	wrdreg $0xFFFFFFFF  }
0xc2: {  	_ =	task.clear_ibuf [dreg:s7], $0x2FFFF;
	_ =	strace $0x9FFFFFFF  }
0xc3: {  	(tm) =	ssettm $0x7FFFFFFF  }
tec
execute0_lowered:
.L_overlay_start_1:
0x0: {  	(tag) =	ssettag $0x1  }
0x1: {  	s1 =	rddreg [dreg:$0x0]  }
0x2: {  	s0 =	rddreg [dreg:$0x1]  }
0x3: {  	s2 =	rddreg [dreg:$0x2];
	s3 =	simm.s32 $0x0  }
0x4: {  	s4 =	srdreg.scid;
	s24 =	stileid.u32;
	s28 =	simm.s32 $0x2  }
0x5: {  	s29 =	simm.s32 $0x2000;
	s30 =	simm.s32 $0x50;
	s31 =	simm.s32 $0x1  }
0x6: {  	[smem:$0x7FF] =	sst s3;
	s4 =	sand.u32 $0x1, s4;
	s26 =	smul.u32 $0x500, s24  }
0x7: {  	s7 =	sadd.s32 $0x50A00, s0;
	s18 =	sor.u32 $0x10, s24;
	s5 =	smul.u32 $0x27100, s4  }
0x8: {  	s8 =	sadd.s32 $0x60A00, s0;
	s19 =	sor.u32 $0x20, s24;
	s10 =	smul.u32 $0x500, s18  }
0x9: {  	s9 =	sshll.u32 s24, $0xC;
	s20 =	sor.u32 $0x40, s24;
	s11 =	smul.u32 $0x500, s19  }
0xa: {  	s21 =	sor.u32 $0x50, s24;
	s6 =	ssub.s32 $0x2, s4;
	s13 =	smul.u32 $0x500, s20  }
0xb: {  	s4 =	sshll.u32 s4, $0xB;
	s14 =	smul.u32 $0x500, s21;
	s22 =	sshrl.u32 s6, $0x1  }
0xc: {  	s4 =	sor.u32 s4, s9;
	s0 =	sadd.s32 s5, s0;
	s17 =	ssub.s32 s6, s22  }
0xd: {  	s23 =	sadd.s32 s7, s4;
	s25 =	sadd.s32 s8, s4;
	s4 =	sor.u32 $0x400, s4  }
0xe: {  	s5 =	sor.u32 $0x30, s24;
	s6 =	smul.u32 $0xA000, s18;
	[dreg:$0x4] =	wrdreg s23  }
0xf: {  	s22 =	sor.u32 $0x60, s24;
	[dreg:$0x5] =	wrdreg s25;
	s12 =	smul.u32 $0x500, s5  }
0x10: {  	s7 =	sadd.s32 s7, s4;
	s8 =	sadd.s32 s8, s4;
	s15 =	smul.u32 $0x500, s22  }
0x11: {  	s0 =	sadd.s32 $0x70A00, s0;
	s23 =	sor.u32 $0x70, s24;
	s24 =	smul.u32 $0xA000, s24  }
0x12: {  	s17 =	smax.u32 s17, $0x1;
	s4 =	smul.u32 $0xA000, s5;
	s9 =	sadd.s32 s0, s26  }
0x13: {  	s10 =	sadd.s32 s0, s10;
	s11 =	sadd.s32 s0, s11;
	s13 =	sadd.s32 s0, s13  }
0x14: {  	s16 =	smul.u32 $0x500, s23;
	s14 =	sadd.s32 s0, s14;
	_ =	strace $0x8000004D  }
0x15: {  	s26 =	smul.u32 $0xA000, s19;
	p0 =	sgt.u32 s23, $0x7D;
	s12 =	sadd.s32 s0, s12  }
0x16: {  	s15 =	sadd.s32 s0, s15;
	s25 =	sshrl.u32 s24, $0x2;
	s16 =	sadd.s32 s0, s16  }
0x17: {  	s18 =	sadd.s32 s25, s2;
	s0 =	sshrl.u32 s6, $0x2;
	s6 =	smul.u32 $0xA000, s20  }
0x18: {  	s5 =	sshrl.u32 s26, $0x2;
	s25 =	sshrl.u32 s4, $0x2;
	s26 =	smul.u32 $0xA000, s21  }
0x19: {  	p1 =	sgt.u32 s23, $0x7C;
	s21 =	sadd.s32 s25, s2;
	s25 =	smul.u32 $0xA000, s23  }
0x1a: {  	s20 =	sadd.s32 s5, s2;
	s5 =	sshrl.u32 s6, $0x2;
	s6 =	smul.u32 $0xA000, s22  }
0x1b: {  	s19 =	sadd.s32 s0, s2;
	s23 =	sshrl.u32 s26, $0x2;
	s22 =	sadd.s32 s5, s2  }
0x1c: {  	s23 =	sadd.s32 s23, s2;
	s26 =	sshrl.u32 s25, $0x2;
	s24 =	sshrl.u32 s6, $0x2  }
0x1d: {  	v0 =	vimm.f32 $0.0e+00;
	s25 =	sadd.s32 s26, s2;
	s26 =	simm.s32 $0x4000;
	s24 =	sadd.s32 s24, s2  }
.LBB2_1:
0x1e: {  	s0 =	simm.s32 $0x70;
	s4 =	simm.s32 $0x3C0  }
.LBB2_2:
0x1f: {  	p2 =	sne.s32 s4, $0x9FC0;
	[tilespmem:s0+$0x4000] =	vst v0  }
0x20: {  	[tilespmem:s0+$0x3F90] =	vst v0  }
0x21: {  	[tilespmem:s0+$0x3FA0] =	vst v0  }
.Ltmp0:
0x22: {  	[tilespmem:s0+$0x3FB0] =	vst v0;
	(pc) =	sbr.rel @p2 .LBB2_2-.Ltmp0, $4  }
0x23: {  	[tilespmem:s0+$0x3FC0] =	vst v0  }
0x24: {  	[tilespmem:s0+$0x3FD0] =	vst v0  }
0x25: {  	[tilespmem:s0+$0x3FE0] =	vst v0  }
0x26: {  	[tilespmem:s0+$0x3FF0] =	vst v0;
	s0 =	sshra.s32 s4, $0x2;
	s4 =	sadd.s32 $0x200, s4  }
0x27: {  	[tilespmem:s0+$0x4000] =	vst v0  }
0x28: {  	[tilespmem:s0+$0x3F90] =	vst v0  }
0x29: {  	[tilespmem:s0+$0x3FA0] =	vst v0  }
0x2a: {  	[tilespmem:s0+$0x3FB0] =	vst v0  }
0x2b: {  	[tilespmem:s0+$0x3FC0] =	vst v0  }
0x2c: {  	[tilespmem:s0+$0x3FD0] =	vst v0  }
0x2d: {  	[tilespmem:s0+$0x3FE0] =	vst v0  }
0x2e: {  	[tilespmem:s0+$0x3FF0] =	vst v0  }
0x2f: {  	[spmem:s18] =	stream.linear.scatter [tilespmem:s26], [sflag:$0x2], $0x2800, $0x38;
	[tilespmem:$0x1A300] =	vst v63  }
0x30: {  	_ =	swait.ge [sflag:s28], $0x2800  }
0x31: {  	[sflag:s28] =	ssyncset.done $0x0  }
0x32: {  	[sflag:s28] =	ssyncadd.s32 $0xFFFFD800  }
0x33: {  	[spmem:s19] =	stream.linear.scatter [tilespmem:s26], [sflag:$0x2], $0x2800, $0x38;
	[tilespmem:$0x1A300] =	vst v63  }
0x34: {  	_ =	swait.ge [sflag:s28], $0x2800  }
0x35: {  	[sflag:s28] =	ssyncset.done $0x0  }
0x36: {  	[sflag:s28] =	ssyncadd.s32 $0xFFFFD800  }
0x37: {  	[spmem:s20] =	stream.linear.scatter [tilespmem:s26], [sflag:$0x2], $0x2800, $0x38;
	[tilespmem:$0x1A300] =	vst v63  }
0x38: {  	_ =	swait.ge [sflag:s28], $0x2800  }
0x39: {  	[sflag:s28] =	ssyncset.done $0x0  }
0x3a: {  	[sflag:s28] =	ssyncadd.s32 $0xFFFFD800  }
0x3b: {  	[spmem:s21] =	stream.linear.scatter [tilespmem:s26], [sflag:$0x2], $0x2800, $0x38;
	[tilespmem:$0x1A300] =	vst v63  }
0x3c: {  	_ =	swait.ge [sflag:s28], $0x2800  }
0x3d: {  	[sflag:s28] =	ssyncset.done $0x0  }
0x3e: {  	[sflag:s28] =	ssyncadd.s32 $0xFFFFD800  }
0x3f: {  	[spmem:s22] =	stream.linear.scatter [tilespmem:s26], [sflag:$0x2], $0x2800, $0x38;
	[tilespmem:$0x1A300] =	vst v63  }
0x40: {  	_ =	swait.ge [sflag:s28], $0x2800  }
0x41: {  	[sflag:s28] =	ssyncset.done $0x0  }
0x42: {  	[sflag:s28] =	ssyncadd.s32 $0xFFFFD800  }
0x43: {  	[spmem:s23] =	stream.linear.scatter [tilespmem:s26], [sflag:$0x2], $0x2800, $0x38;
	[tilespmem:$0x1A300] =	vst v63  }
0x44: {  	_ =	swait.ge [sflag:s28], $0x2800  }
0x45: {  	[sflag:s28] =	ssyncset.done $0x0  }
0x46: {  	[sflag:s28] =	ssyncadd.s32 $0xFFFFD800  }
0x47: {  	[spmem:s24] =	stream.linear.scatter [tilespmem:s26], [sflag:$0x2], $0x2800, $0x38;
	[tilespmem:$0x1A300] =	vst v63  }
0x48: {  	_ =	swait.ge [sflag:s28], $0x2800  }
0x49: {  	[sflag:s28] =	ssyncset.done $0x0  }
0x4a: {  	s0 =	simm.s32 @!p0 $0x4000;
	[sflag:s28] =	ssyncadd.s32 $0xFFFFD800  }
0x4b: {  	[spmem:s25] =	stream.linear.scatter @!p0 [tilespmem:s0], [sflag:$0x2], $0x2800, $0x38;
	[tilespmem:$0x1A300] =	vst v63  }
0x4c: {  	s0 =	simm.s32 @!p0 $0x2  }
0x4d: {  	_ =	swait.ge @!p0 [sflag:s0], $0x2800  }
0x4e: {  	[sflag:s0] =	ssyncset.done @!p0 $0x0  }
0x4f: {  	[sflag:s0] =	ssyncadd.s32 @!p0 $0xFFFFD800  }
0x50: {  	[bflag:$0x0] =	sbarrier.arrive $0xFFFF  }
0x51: {  	s5 =	simm.s32 $0x0;
	s4 =	rddreg [dreg:$0x4]  }
0x52: {  	[tilespmem:s5], [sflag:$0x2] =	stream.linear.gather [hbm4b:s4+s5], $0x2000, $0x38;
	[tilespmem:$0x1A300] =	vst v63  }
0x53: {  	_ =	swait.ge [sflag:s28], $0x2000  }
0x54: {  	[sflag:s28] =	ssyncset.done $0x0  }
0x55: {  	s6 =	rddreg [dreg:$0x5];
	[sflag:s28] =	ssyncadd.s32 $0xFFFFE000  }
0x56: {  	[tilespmem:s29], [sflag:$0x2] =	stream.linear.gather [hbm4b:s6+s5], $0x2000, $0x38;
	[tilespmem:$0x1A300] =	vst v63  }
0x57: {  	_ =	swait.ge [sflag:s28], $0x2000  }
0x58: {  	[sflag:s28] =	ssyncset.done $0x0  }
0x59: {  	s5 =	simm.s32 $0x0;
	[sflag:s28] =	ssyncadd.s32 $0xFFFFE000  }
0x5a: {  	[tilespmem:s26], [sflag:$0x1] =	stream.indirect.gather [hbm4b:s1+s30], $0x80, s5, s30, $0xb8;
	[tilespmem:$0x1A300] =	vst v63  }
0x5b: {  	_ =	swait.ge [sflag:s31], $0x2800  }
0x5c: {  	[sflag:s31] =	ssyncset.done $0x0  }
0x5d: {  	s6 =	simm.s32 $0x2000;
	[sflag:s31] =	ssyncadd.s32 $0xFFFFD800  }
0x5e: {  	[spmem:s2] =	stream.indirect.scatter.add.f32 [tilespmem:s26], [sflag:$0x2], $0x80, s6, s30, $0xb8;
	[tilespmem:$0x1A300] =	vst v63  }
0x5f: {  	_ =	swait.ge [sflag:s28], $0x2800  }
0x60: {  	s0 =	simm.s32 $0x200;
	s4 =	simm.s32 $0x400;
	[sflag:s28] =	ssyncset.done $0x0  }
.LBB2_4:
0x61: {  	s5 =	sshra.s32 s0, $0x2  }
0x62: {  	[sflag:s28] =	ssyncadd.s32 $0xFFFFD800;
	s0 =	smov.u32 s4;
	s6 =	sadd.s32 $0x200, s4  }
0x63: {  	[tilespmem:s26], [sflag:$0x1] =	stream.indirect.gather [hbm4b:s1+s30], $0x80, s5, s30, $0xb8;
	[tilespmem:$0x1A300] =	vst v63  }
0x64: {  	p2 =	sne.s32 s4, $0x7E00;
	_ =	swait.ge [sflag:s31], $0x2800  }
.Ltmp1:
0x65: {  	[sflag:s31] =	ssyncset.done $0x0;
	(pc) =	sbr.rel @p2 .LBB2_4-.Ltmp1, $4  }
0x66: {  	s4 =	sadd.s32 $0x2000, s5;
	[sflag:s31] =	ssyncadd.s32 $0xFFFFD800  }
0x67: {  	[spmem:s2] =	stream.indirect.scatter.add.f32 [tilespmem:s26], [sflag:$0x2], $0x80, s4, s30, $0xb8;
	[tilespmem:$0x1A300] =	vst v63  }
0x68: {  	_ =	swait.ge [sflag:s28], $0x2800  }
0x69: {  	s4 =	smov.u32 s6;
	[sflag:s28] =	ssyncset.done $0x0  }
0x6a: {  	s0 =	sshra.s32 s0, $0x2;
	[sflag:s28] =	ssyncadd.s32 $0xFFFFD800  }
0x6b: {  	[tilespmem:s26], [sflag:$0x1] =	stream.indirect.gather [hbm4b:s1+s30], $0x80, s0, s30, $0xb8;
	[tilespmem:$0x1A300] =	vst v63  }
0x6c: {  	_ =	swait.ge [sflag:s31], $0x2800  }
0x6d: {  	[sflag:s31] =	ssyncset.done $0x0  }
0x6e: {  	s0 =	sadd.s32 $0x2000, s0;
	[sflag:s31] =	ssyncadd.s32 $0xFFFFD800  }
0x6f: {  	[spmem:s2] =	stream.indirect.scatter.add.f32 [tilespmem:s26], [sflag:$0x2], $0x80, s0, s30, $0xb8;
	[tilespmem:$0x1A300] =	vst v63  }
0x70: {  	_ =	swait.ge [sflag:s28], $0x2800  }
0x71: {  	[sflag:s28] =	ssyncset.done $0x0  }
0x72: {  	s4 =	simm.s32 $0x0;
	[sflag:s28] =	ssyncadd.s32 $0xFFFFD800  }
0x73: {  	[tilespmem:s4], [sflag:$0x2] =	stream.linear.gather [hbm4b:s7+s4], $0x2000, $0x38;
	[tilespmem:$0x1A300] =	vst v63  }
0x74: {  	_ =	swait.ge [sflag:s28], $0x2000  }
0x75: {  	[sflag:s28] =	ssyncset.done $0x0  }
0x76: {  	[sflag:s28] =	ssyncadd.s32 $0xFFFFE000  }
0x77: {  	[tilespmem:s29], [sflag:$0x2] =	stream.linear.gather [hbm4b:s8+s4], $0x2000, $0x38;
	[tilespmem:$0x1A300] =	vst v63  }
0x78: {  	_ =	swait.ge [sflag:s28], $0x2000  }
0x79: {  	[sflag:s28] =	ssyncset.done $0x0  }
0x7a: {  	s5 =	simm.s32 $0x0;
	[sflag:s28] =	ssyncadd.s32 $0xFFFFE000  }
0x7b: {  	[tilespmem:s26], [sflag:$0x1] =	stream.indirect.gather [hbm4b:s1+s30], $0x80, s5, s30, $0xb8;
	[tilespmem:$0x1A300] =	vst v63  }
0x7c: {  	_ =	swait.ge [sflag:s31], $0x2800  }
0x7d: {  	[sflag:s31] =	ssyncset.done $0x0  }
0x7e: {  	s6 =	simm.s32 $0x2000;
	[sflag:s31] =	ssyncadd.s32 $0xFFFFD800  }
0x7f: {  	[spmem:s2] =	stream.indirect.scatter.add.f32 [tilespmem:s26], [sflag:$0x2], $0x80, s6, s30, $0xb8;
	[tilespmem:$0x1A300] =	vst v63  }
0x80: {  	_ =	swait.ge [sflag:s28], $0x2800  }
0x81: {  	s0 =	simm.s32 $0x200;
	s4 =	simm.s32 $0x400;
	[sflag:s28] =	ssyncset.done $0x0  }
.LBB2_6:
0x82: {  	s5 =	sshra.s32 s0, $0x2  }
0x83: {  	[sflag:s28] =	ssyncadd.s32 $0xFFFFD800;
	s0 =	smov.u32 s4;
	s6 =	sadd.s32 $0x200, s4  }
0x84: {  	[tilespmem:s26], [sflag:$0x1] =	stream.indirect.gather [hbm4b:s1+s30], $0x80, s5, s30, $0xb8;
	[tilespmem:$0x1A300] =	vst v63  }
0x85: {  	p2 =	sne.s32 s4, $0x7E00;
	_ =	swait.ge [sflag:s31], $0x2800  }
.Ltmp2:
0x86: {  	[sflag:s31] =	ssyncset.done $0x0;
	(pc) =	sbr.rel @p2 .LBB2_6-.Ltmp2, $4  }
0x87: {  	s4 =	sadd.s32 $0x2000, s5;
	[sflag:s31] =	ssyncadd.s32 $0xFFFFD800  }
0x88: {  	[spmem:s2] =	stream.indirect.scatter.add.f32 [tilespmem:s26], [sflag:$0x2], $0x80, s4, s30, $0xb8;
	[tilespmem:$0x1A300] =	vst v63  }
0x89: {  	_ =	swait.ge [sflag:s28], $0x2800  }
0x8a: {  	s4 =	smov.u32 s6;
	[sflag:s28] =	ssyncset.done $0x0  }
0x8b: {  	s0 =	sshra.s32 s0, $0x2;
	[sflag:s28] =	ssyncadd.s32 $0xFFFFD800  }
0x8c: {  	[tilespmem:s26], [sflag:$0x1] =	stream.indirect.gather [hbm4b:s1+s30], $0x80, s0, s30, $0xb8;
	[tilespmem:$0x1A300] =	vst v63  }
0x8d: {  	_ =	swait.ge [sflag:s31], $0x2800  }
0x8e: {  	[sflag:s31] =	ssyncset.done $0x0  }
0x8f: {  	s0 =	sadd.s32 $0x2000, s0;
	[sflag:s31] =	ssyncadd.s32 $0xFFFFD800  }
0x90: {  	[spmem:s2] =	stream.indirect.scatter.add.f32 [tilespmem:s26], [sflag:$0x2], $0x80, s0, s30, $0xb8;
	[tilespmem:$0x1A300] =	vst v63  }
0x91: {  	_ =	swait.ge [sflag:s28], $0x2800  }
0x92: {  	s4 =	stileid.u32;
	[sflag:s28] =	ssyncset.done $0x0  }
0x93: {  	s0 =	sshll.u32 s4, $0x6;
	[sflag:s28] =	ssyncadd.s32 $0xFFFFD800  }
0x94: {  	s4 =	sshrl.u32 s18, $0x3;
	s0 =	sor.u32 $0x1C02, s0;
	[bflag:$0x0] =	sbarrier.arrive $0xFFFF  }
0x95: {  	[hbm:s9], [sflag:s0] =	dma.local [spmem:s4], $0x500  }
0x96: {  	_ =	swait.ge [sflag:s28], $0x500  }
0x97: {  	[sflag:s28] =	ssyncset.done $0x0  }
0x98: {  	s5 =	sshrl.u32 s19, $0x3;
	[sflag:s28] =	ssyncadd.s32 $0xFFFFFB00  }
0x99: {  	[hbm:s10], [sflag:s0] =	dma.local [spmem:s5], $0x500  }
0x9a: {  	_ =	swait.ge [sflag:s28], $0x500  }
0x9b: {  	[sflag:s28] =	ssyncset.done $0x0  }
0x9c: {  	s6 =	sshrl.u32 s20, $0x3;
	[sflag:s28] =	ssyncadd.s32 $0xFFFFFB00  }
0x9d: {  	[hbm:s11], [sflag:s0] =	dma.local [spmem:s6], $0x500  }
0x9e: {  	_ =	swait.ge [sflag:s28], $0x500  }
0x9f: {  	[sflag:s28] =	ssyncset.done $0x0  }
0xa0: {  	s5 =	sshrl.u32 s21, $0x3;
	[sflag:s28] =	ssyncadd.s32 $0xFFFFFB00  }
0xa1: {  	[hbm:s12], [sflag:s0] =	dma.local [spmem:s5], $0x500  }
0xa2: {  	_ =	swait.ge [sflag:s28], $0x500  }
0xa3: {  	[sflag:s28] =	ssyncset.done $0x0  }
0xa4: {  	s6 =	sshrl.u32 s22, $0x3;
	[sflag:s28] =	ssyncadd.s32 $0xFFFFFB00  }
0xa5: {  	[hbm:s13], [sflag:s0] =	dma.local [spmem:s6], $0x500  }
0xa6: {  	_ =	swait.ge [sflag:s28], $0x500  }
0xa7: {  	[sflag:s28] =	ssyncset.done $0x0  }
0xa8: {  	s5 =	sshrl.u32 s23, $0x3;
	[sflag:s28] =	ssyncadd.s32 $0xFFFFFB00  }
0xa9: {  	[hbm:s14], [sflag:s0] =	dma.local [spmem:s5], $0x500  }
0xaa: {  	_ =	swait.ge [sflag:s28], $0x500  }
0xab: {  	[sflag:s28] =	ssyncset.done $0x0  }
0xac: {  	s6 =	sshrl.u32 s24, $0x3;
	[sflag:s28] =	ssyncadd.s32 $0xFFFFFB00  }
0xad: {  	[hbm:s15], [sflag:s0] =	dma.local [spmem:s6], $0x500  }
0xae: {  	_ =	swait.ge [sflag:s28], $0x500  }
0xaf: {  	s3 =	sadd.s32 $0x1, s3;
	[sflag:s28] =	ssyncset.done $0x0  }
0xb0: {  	p2 =	sne.s32 s3, s17;
	s4 =	sshrl.u32 @!p1 s25, $0x3;
	[sflag:s28] =	ssyncadd.s32 $0xFFFFFB00  }
0xb1: {  	[hbm:s16], [sflag:s0] =	dma.local @!p1 [spmem:s4], $0x500  }
.Ltmp3:
0xb2: {  	_ = 	snop;
	(pc) =	sbr.rel @p2 .LBB2_1-.Ltmp3, $4  }
0xb3: {  	s0 =	simm.s32 @!p1 $0x2  }
0xb4: {  	_ =	swait.ge @!p1 [sflag:s0], $0x500  }
0xb5: {  	[sflag:s0] =	ssyncset.done @!p1 $0x0  }
0xb6: {  	[sflag:s0] =	ssyncadd.s32 @!p1 $0xFFFFFB00  }
0xb7: {  	_ =	sfence.sel $0x180000  }
0xb8: {  	[bflag:$0x0] =	sbarrier.arrive $0xFFFF  }
0xb9: {  	_ =	strace $0x9000004D  }
0xba: {  	s0 =	stileid.u32;
	[bflag:$0x2] =	sbarrier.arrive $0xFFFF  }
0xbb: {  	p0 =	sne.s32 s0, $0x0;
	s0 =	rddreg [dreg:$0x3]  }
0xbc: {  	s0 =	sadd.s32 @!p0 $0x100000, s0  }
0xbd: {  	[sflag:s0] =	ssyncadd.tile.s32 @!p0 $0x1;
	_ =	shalt  }
.Lfunc_end2:
_tile_overlayer_lowered:
.L_overlay_start_2:
0xbe: {  	(tag) =	ssettag $0x2  }
0xbf: {  	s0 =	rddreg [dreg:$0x0];
	s2 =	stileid.u32  }
0xc0: {  	s1 =	rddreg [dreg:$0x1];
	p0 =	sne.s32 s2, $0x0  }
0xc1: {  	s3 =	rddreg [dreg:$0x2];
	[bflag:$0x3] =	sbarrier.arrive $0xFFFF;
	s2 =	simm.s32 @!p0 $0x1C02  }
0xc2: {  	[timem:s3], [sflag:s2] =	dma.local @!p0 [hbm:s0], s1  }
0xc3: {  	s0 =	simm.s32 @!p0 $0x2  }
0xc4: {  	_ =	swait.ge @!p0 [sflag:s0], s1  }
0xc5: {  	s1 =	ssub.s32 @!p0 $0x0, s1;
	[sflag:s0] =	ssyncset.done @!p0 $0x0  }
0xc6: {  	[sflag:s0] =	ssyncadd.s32 @!p0 s1  }
0xc7: {  	[bflag:$0x3] =	sbarrier.arrive $0xFFFF  }
0xc8: {  	_ =	shalt  }

// kernel: kernel.8.cloned.1.call-start
scs
__scs_entry_jumppad:
0x0: {  	(pc) =	sbr.rel $0x88, $3  }
0x1: {  	(tag) =	ssettag $0x0;
	lr =	simm.s32 $0x1  }
0x2: {  	[smem:$0x3F9B] =	sst lr;
	_ =	strace $0xD0000000  }
0x3: {  	_ = 	snop  }
0x4: {  	_ = 	snop  }
0x5: {  	_ = 	snop  }
0x6: {  	_ = 	snop  }
0x7: {  	_ = 	snop  }
__scs_overlays_trampoline_lowered:
0x8: {  	[smem:$0x3FAA] =	sst s0  }
0x9: {  	[smem:$0x3FAB] =	sst s1  }
0xa: {  	[smem:$0x3FAC] =	sst s2  }
0xb: {  	[smem:$0x3FAD] =	sst s3  }
0xc: {  	[smem:$0x3FAE] =	sst s4  }
0xd: {  	[smem:$0x3FAF] =	sst s5  }
0xe: {  	[smem:$0x3FB0] =	sst s6  }
0xf: {  	[smem:$0x3FB1] =	sst s7  }
0x10: {  	[smem:$0x3FB2] =	sst s8  }
0x11: {  	[smem:$0x3FB3] =	sst s9;
	s0 =	simm.s32 @!p0 $0x0  }
0x12: {  	s1 =	sld [smem:$0x3F99];
	s0 =	simm.s32 @p0 $0x1  }
0x13: {  	[smem:$0x3FB4] =	sst s0;
	s0 =	simm.s32 @!p1 $0x0  }
0x14: {  	s2 =	sld [smem:$0x3F98];
	s0 =	simm.s32 @p1 $0x1  }
0x15: {  	[smem:$0x3FB5] =	sst s0;
	s0 =	simm.s32 @!p2 $0x0  }
0x16: {  	s3 =	sld [smem:$0x3FDB];
	s0 =	simm.s32 @p2 $0x1  }
0x17: {  	s4 =	simm.s32 $0x1BF5;
	[smem:$0x3FB7] =	sst s0  }
0x18: {  	s0 =	sld [smem:$0x3F9A];
	_ =	swait.ge [sflag:s4], $0x0  }
0x19: {  	s7 =	sld [smem:$0x3F9B]  }
0x1a: {  	s8 =	sadd.s32 $0xFFFFE003, lr  }
0x1b: {  	s9 =	sadd.s32 $0xFFFFFEF7, lr;
	s5 =	simm.s32 $0xFFFFFFFF;
	p2 =	slt.u32 s8, $0xFFFFF086  }
0x1c: {  	p1 =	slt.u32 s9, $0xF7A;
	s5 =	simm.s32 @!p2 $0x0  }
0x1d: {  	s5 =	simm.s32 @p1 $0x1;
	p0 =	seq.s32 s7, s2  }
0x1e: {  	s7 =	smul.u32 @!p0 $0xF7A, s2;
	p2 =	seq.s32 @!p0 s5, $0x0  }
0x1f: {  	s9 =	smul.u32 $0xF7A, s1;
	s8 =	simm.s32 @!p0 $0x1BF5;
	p2 =	por !p2, p0  }
0x20: {  	[sflag:s8] =	ssyncset.s32 @!p0 $0xFFFFF086;
	s6 =	sadd.s32 @!p0 s3, s7;
	s7 =	simm.s32 @!p0 $0x108  }
0x21: {  	s3 =	sadd.s32 s3, s9;
	s6 =	sadd.s32 @!p0 $0x88, s6;
	s7 =	simm.s32 @p2 $0x1082  }
0x22: {  	[simem:s7], [sflag:s8] =	dma.local @!p0 [hbm:s6], $0xF7A  }
0x23: {  	s9 =	sor.u32 $0xD0000000, s2;
	s6 =	simm.s32 $0x108;
	_ =	swait.ge @!p0 [sflag:s8], $0x0  }
0x24: {  	s3 =	sadd.s32 $0x88, s3;
	s6 =	simm.s32 @!p1 $0x1082;
	[sflag:s4] =	ssyncset.s32 $0xFFFFF086  }
0x25: {  	[simem:s6], [sflag:s4] =	dma.local [hbm:s3], $0xF7A  }
0x26: {  	[smem:$0x3F9B] =	sst s1;
	(tag) =	ssettag s2;
	_ =	strace s9  }
0x27: {  	s1 =	sld [smem:$0x3FAB]  }
0x28: {  	s2 =	sld [smem:$0x3FAC]  }
0x29: {  	s4 =	sld [smem:$0x3FAE]  }
0x2a: {  	p0 =	seq.s32 s5, $0x0;
	s5 =	sld [smem:$0x3FAF]  }
0x2b: {  	s6 =	sld [smem:$0x3FB0]  }
0x2c: {  	s7 =	sld [smem:$0x3FB1]  }
0x2d: {  	s3 =	simm.s32 $0x108;
	s8 =	sld [smem:$0x3FB2]  }
0x2e: {  	s3 =	simm.s32 @!p0 $0x1082;
	s9 =	sld [smem:$0x3FB3]  }
0x2f: {  	lr =	sadd.s32 s0, s3;
	s0 =	sld [smem:$0x3FAA]  }
0x30: {  	s3 =	sld [smem:$0x3FAD]  }
0x31: {  	[smem:$0x3FB6] =	sst s10  }
0x32: {  	s10 =	sld [smem:$0x3FB4];
	_ =	sdelay $0x3  }
0x33: {  	p0 =	seq.s32 s10, $0x1;
	s10 =	sld [smem:$0x3FB6];
	_ =	sdelay $0x3  }
0x34: {  	[smem:$0x3FB6] =	sst s10  }
0x35: {  	s10 =	sld [smem:$0x3FB5];
	_ =	sdelay $0x3  }
0x36: {  	p1 =	seq.s32 s10, $0x1;
	s10 =	sld [smem:$0x3FB6];
	_ =	sdelay $0x3  }
0x37: {  	[smem:$0x3FB6] =	sst s10  }
0x38: {  	s10 =	sld [smem:$0x3FB7]  }
0x39: {  	_ = 	snop;
	(pc) =	sbr.ind lr, $3  }
0x3a: {  	_ = 	snop  }
0x3b: {  	_ = 	snop  }
0x3c: {  	p2 =	seq.s32 s10, $0x1;
	s10 =	sld [smem:$0x3FB6]  }
0x3d: {  	_ =	shalt  }
0x3e: {  	_ =	shalt  }
0x3f: {  	_ =	shalt  }
0x40: {  	_ =	shalt  }
0x41: {  	_ =	shalt  }
0x42: {  	_ =	shalt  }
0x43: {  	_ =	shalt  }
0x44: {  	_ =	shalt  }
0x45: {  	_ =	shalt  }
0x46: {  	_ =	shalt  }
0x47: {  	_ =	shalt  }
0x48: {  	_ =	shalt  }
0x49: {  	_ =	shalt  }
0x4a: {  	_ =	shalt  }
0x4b: {  	_ =	shalt  }
0x4c: {  	_ =	shalt  }
0x4d: {  	_ =	shalt  }
0x4e: {  	_ =	shalt  }
0x4f: {  	_ =	shalt  }
0x50: {  	_ =	shalt  }
0x51: {  	_ =	shalt  }
0x52: {  	_ =	shalt  }
0x53: {  	_ =	shalt  }
0x54: {  	_ =	shalt  }
0x55: {  	_ =	shalt  }
0x56: {  	_ =	shalt  }
0x57: {  	_ =	shalt  }
0x58: {  	_ =	shalt  }
0x59: {  	_ =	shalt  }
0x5a: {  	_ =	shalt  }
0x5b: {  	_ =	shalt  }
0x5c: {  	_ =	shalt  }
0x5d: {  	_ =	shalt  }
0x5e: {  	_ =	shalt  }
0x5f: {  	_ =	shalt  }
0x60: {  	_ =	shalt  }
0x61: {  	_ =	shalt  }
0x62: {  	_ =	shalt  }
0x63: {  	_ =	shalt  }
0x64: {  	_ =	shalt  }
0x65: {  	_ =	shalt  }
0x66: {  	_ =	shalt  }
0x67: {  	_ =	shalt  }
0x68: {  	_ =	shalt  }
0x69: {  	_ =	shalt  }
0x6a: {  	_ =	shalt  }
0x6b: {  	_ =	shalt  }
0x6c: {  	_ =	shalt  }
0x6d: {  	_ =	shalt  }
0x6e: {  	_ =	shalt  }
0x6f: {  	_ =	shalt  }
0x70: {  	_ =	shalt  }
0x71: {  	_ =	shalt  }
0x72: {  	_ =	shalt  }
0x73: {  	_ =	shalt  }
0x74: {  	_ =	shalt  }
0x75: {  	_ =	shalt  }
0x76: {  	_ =	shalt  }
0x77: {  	_ =	shalt  }
0x78: {  	_ =	shalt  }
0x79: {  	_ =	shalt  }
0x7a: {  	_ =	shalt  }
0x7b: {  	_ =	shalt  }
0x7c: {  	_ =	shalt  }
0x7d: {  	_ =	shalt  }
0x7e: {  	_ =	shalt  }
0x7f: {  	_ =	shalt  }
0x80: {  	_ =	shalt  }
0x81: {  	_ =	shalt  }
0x82: {  	_ =	shalt  }
0x83: {  	_ =	shalt  }
0x84: {  	_ =	shalt  }
0x85: {  	_ =	shalt  }
0x86: {  	_ =	shalt  }
0x87: {  	_ =	shalt  }
.Lfunc_end0:
.L_simem_size_0:
called_computation_lowered:
.L_overlay_start_0:
0x88: {  	s2 =	sld [smem:$0x3FD9]  }
0x89: {  	s3 =	sld [smem:$0x3FFE];
	_ =	sdelay $0x1  }
0x8a: {  	s1 =	srdreg.scid  }
0x8b: {  	s0 =	sand.u32 $0x1, s1  }
0x8c: {  	s17 =	sshll.u32 s0, $0xA;
	s2 =	sadd.s32 s3, s2  }
0x8d: {  	s2 =	sadd.s32 s2, s17  }
0x8e: {  	[smem:$0x3FC2] =	sst s2  }
0x8f: {  	_ = 	snop  }
0x90: {  	s2 =	sld [smem:$0x3FD0];
	(tm) =	ssettm $0x1  }
0x91: {  	s18 =	sld [smem:$0x3FFB];
	_ =	sdelay $0x3  }
0x92: {  	_ =	strace s18  }
0x93: {  	s3 =	sld [smem:$0x3FFC];
	_ =	sdelay $0x3  }
0x94: {  	_ =	strace s3  }
0x95: {  	s3 =	sld [smem:$0x3FFD];
	_ =	sdelay $0x3  }
0x96: {  	_ =	strace s3  }
0x97: {  	_ =	strace $0x8FFFFFFF  }
0x98: {  	s19 =	sld [smem:$0x3FDB];
	_ =	sdelay $0x1  }
0x99: {  	s4 =	simm.s32 $_scs_section_size  }
0x9a: {  	s5 =	simm.s32 $_size__tile_overlayer_lowered;
	s6 =	simm.s32 $_tile_overlayer_lowered  }
0x9b: {  	s22 =	simm.s32 $0x1BFF;
	s21 =	sshll.u32 s6, $0x1;
	s3 =	sadd.s32 s4, s19  }
0x9c: {  	s7 =	simm.s32 $0x0;
	s20 =	sshll.u32 s5, $0x1;
	s5 =	sadd.s32 s21, s3  }
0x9d: {  	[timem:s7], [sflag:s22] =	dma.local [hbm:s5], s20  }
0x9e: {  	_ =	swait.ge [sflag:s22], s20  }
0x9f: {  	s4 =	ssub.s32 $0x0, s20;
	[sflag:s22] =	ssyncset.done $0x0  }
0xa0: {  	[sflag:s22] =	ssyncadd.s32 s4;
	_ =	sdelay $0x1  }
0xa1: {  	s23 =	simm.s32 $0x1B8B  }
0xa2: {  	_ =	swait.ge [sflag:s23], $0x1  }
0xa3: {  	[sflag:s23] =	ssyncset.done $0x0  }
0xa4: {  	s25 =	simm.s32 $0x1B8E;
	s24 =	sld [smem:$0x3FFE];
	[sflag:s23] =	ssyncadd.s32 $0xFFFFFFFF  }
0xa5: {  	s26 =	simm.s32 $execute0_lowered;
	[smem:$0x3FD2] =	sst s25  }
0xa6: {  	s5 =	sshll.u32 s26, $0x1;
	_ =	strace $0x80000046;
	[dreg:$0x1] =	wrdreg $0xFFFFFFFF  }
0xa7: {  	s28 =	simm.s32 $_size_execute0_lowered;
	s3 =	sadd.s32 s3, s5;
	[dreg:$0x0] =	wrdreg $0x0  }
0xa8: {  	s5 =	sshll.u32 s28, $0x1;
	[dreg:$0x2] =	wrdreg s3  }
0xa9: {  	[dreg:$0x3] =	wrdreg s5  }
0xaa: {  	[dreg:$0x4] =	wrdreg $0xC0  }
0xab: {  	_ =	task [dreg:s7], $0x5FFFF  }
0xac: {  	[dreg:$0x1] =	wrdreg $0xFFFFFFFF  }
0xad: {  	[dreg:$0x0] =	wrdreg $0x60  }
0xae: {  	[dreg:$0x2] =	wrdreg s2  }
0xaf: {  	[dreg:$0x3] =	wrdreg s24  }
0xb0: {  	[dreg:$0x4] =	wrdreg $0x90000  }
0xb1: {  	[dreg:$0x5] =	wrdreg $0x9  }
0xb2: {  	_ =	task.clear_ibuf [dreg:s7], $0x6FFFF;
	_ =	strace $0x90000046  }
0xb3: {  	s29 =	simm.s32 $0x9;
	_ =	strace $0x80000048  }
0xb4: {  	_ =	swait.ge [sflag:s29], $0x1  }
0xb5: {  	[sflag:s29] =	ssyncadd.s32 $0xFFFFFFFF  }
0xb6: {  	_ =	strace $0x90000048  }
0xb7: {  	_ =	sfence  }
0xb8: {  	s30 =	sld [smem:$0x0];
	_ =	sdelay $0x2  }
0xb9: {  	s31 =	sshll.u32 s1, $0xD;
	s1 =	sshrl.u32 s1, $0x2  }
0xba: {  	s3 =	sand.u32 $0x4000, s31;
	s1 =	sadd.s32 s1, s30  }
0xbb: {  	s0 =	sor.u32 s3, s0;
	s1 =	sshll.u32 s1, $0x11  }
0xbc: {  	s0 =	sor.u32 s1, s0  }
0xbd: {  	s0 =	sadd.s32 $0x8F2B, s0  }
0xbe: {  	[sflag:s0] =	ssyncadd.remote.s32 $0x1  }
0xbf: {  	_ =	sfence.sel $0xFFFF  }
0xc0: {  	[dreg:$0x0] =	wrdreg $0xFFFFFFFF;
	(pc) =	sbr.abs _section_cstart, $3  }
0xc1: {  	[dreg:$0x1] =	wrdreg $0xFFFFFFFF  }
0xc2: {  	_ =	task.clear_ibuf [dreg:s7], $0x2FFFF;
	_ =	strace $0x9FFFFFFF  }
0xc3: {  	(tm) =	ssettm $0x7FFFFFFF  }
tec
execute0_lowered:
.L_overlay_start_1:
0x0: {  	(tag) =	ssettag $0x1  }
0x1: {  	s4 =	rddreg [dreg:$0x0]  }
0x2: {  	s5 =	rddreg [dreg:$0x1];
	s3 =	srdreg.scid  }
0x3: {  	s1 =	rddreg [dreg:$0x2];
	s6 =	sand.u32 $0x1, s3  }
0x4: {  	s3 =	stileid.u32;
	s7 =	smul.u32 $0x27100, s6  }
0x5: {  	s0 =	rddreg [dreg:$0x3];
	s22 =	smul.u32 $0xA000, s3;
	s10 =	sor.u32 $0x10, s3  }
0x6: {  	s2 =	simm.s32 $0x0;
	s11 =	sor.u32 $0x20, s3;
	s23 =	smul.u32 $0xA000, s10  }
0x7: {  	[smem:$0x7FF] =	sst s2;
	s12 =	sor.u32 $0x30, s3;
	s24 =	smul.u32 $0xA000, s11  }
0x8: {  	s8 =	ssub.s32 $0x2, s6;
	s14 =	sor.u32 $0x40, s3;
	s13 =	smul.u32 $0xA000, s12  }
0x9: {  	_ =	strace $0x80000047;
	s16 =	sor.u32 $0x50, s3;
	s15 =	smul.u32 $0xA000, s14  }
0xa: {  	s21 =	sshll.u32 s3, $0xC;
	s18 =	sor.u32 $0x60, s3;
	s17 =	smul.u32 $0xA000, s16  }
0xb: {  	s6 =	sshll.u32 s6, $0xB;
	s9 =	sshrl.u32 s8, $0x1;
	s19 =	smul.u32 $0xA000, s18  }
0xc: {  	s4 =	sadd.s32 s4, s6;
	s31 =	smul.u32 $0x500, s11;
	s5 =	sadd.s32 s7, s5  }
0xd: {  	s20 =	ssub.s32 s8, s9;
	s4 =	sadd.s32 s21, s4;
	s25 =	sshrl.u32 s22, $0x2  }
0xe: {  	s22 =	sor.u32 $0x70, s3;
	s21 =	sadd.s32 $0x2800, s5;
	s5 =	smax.u32 s20, $0x1  }
0xf: {  	s26 =	sshrl.u32 s23, $0x2;
	s6 =	sadd.s32 s25, s1;
	s20 =	smul.u32 $0xA000, s22  }
0x10: {  	s8 =	sshrl.u32 s24, $0x2;
	s28 =	sshrl.u32 s13, $0x2;
	s23 =	smul.u32 $0x500, s3  }
0x11: {  	s24 =	smul.u32 $0x500, s10;
	s29 =	sshrl.u32 s15, $0x2;
	s30 =	sshrl.u32 s17, $0x2  }
0x12: {  	s25 =	smul.u32 $0x500, s12;
	s19 =	sshrl.u32 s19, $0x2;
	p0 =	sgt.u32 s22, $0x7C  }
0x13: {  	s7 =	sadd.s32 s26, s1;
	s9 =	sadd.s32 s28, s1;
	s28 =	smul.u32 $0x500, s14  }
0x14: {  	s8 =	sadd.s32 s8, s1;
	s10 =	sadd.s32 s29, s1;
	s29 =	smul.u32 $0x500, s16  }
0x15: {  	s11 =	sadd.s32 s30, s1;
	s12 =	sadd.s32 s19, s1;
	s30 =	smul.u32 $0x500, s18  }
0x16: {  	s16 =	sadd.s32 s21, s31;
	s31 =	smul.u32 $0x500, s22;
	s22 =	simm.s32 $0x6800  }
0x17: {  	s26 =	sshrl.u32 s20, $0x2;
	s14 =	sadd.s32 s21, s23;
	s15 =	sadd.s32 s21, s24  }
0x18: {  	s17 =	sadd.s32 s21, s25;
	s23 =	simm.s32 $0x1;
	s24 =	simm.s32 $0x50  }
0x19: {  	s25 =	simm.s32 $0x4000;
	s13 =	sadd.s32 s26, s1;
	s18 =	sadd.s32 s21, s28  }
0x1a: {  	v0 =	vimm.f32 $1.000000000e+00;
	v1 =	vimm.f32 $0.0e+00;
	s19 =	sadd.s32 s21, s29;
	s20 =	sadd.s32 s21, s30;
	s21 =	sadd.s32 s21, s31  }
.LBB2_1:
0x1b: {  	s26 =	simm.s32 $0x0  }
.LBB2_2:
0x1c: {  	p1 =	sne.s32 s26, $0x9E00  }
.Ltmp0:
0x1d: {  	_ = 	snop;
	(pc) =	sbr.rel @p1 .LBB2_2-.Ltmp0, $3  }
0x1e: {  	_ =	sdelay $0x1  }
0x1f: {  	s28 =	sshra.s32 s26, $0x2  }
0x20: {  	s26 =	sadd.s32 $0x200, s26;
	[tilespmem:s28+$0x4000] =	vst v0  }
0x21: {  	s26 =	simm.s32 $0x200;
	s28 =	simm.s32 $0x0  }
.LBB2_4:
0x22: {  	p1 =	sne.s32 s26, $0x9E00;
	[tilespmem:s28+$0x6800] =	vst v1;
	s28 =	smov.u32 s26;
	s26 =	sadd.s32 $0x200, s26  }
.Ltmp1:
0x23: {  	(pc) =	sbr.rel @p1 .LBB2_4-.Ltmp1, $2  }
0x24: {  	_ =	sdelay $0x2  }
0x25: {  	s28 =	sshra.s32 s28, $0x2  }
0x26: {  	[tilespmem:s28+$0x6800] =	vst v1  }
0x27: {  	[spmem:s6] =	stream.linear.scatter [tilespmem:s22], [sflag:$0x1], $0x2800, $0x38;
	[tilespmem:$0xB710] =	vst v63  }
0x28: {  	_ =	swait.ge [sflag:s23], $0x2800  }
0x29: {  	[sflag:s23] =	ssyncset.done $0x0  }
0x2a: {  	[sflag:s23] =	ssyncadd.s32 $0xFFFFD800  }
0x2b: {  	[spmem:s7] =	stream.linear.scatter [tilespmem:s22], [sflag:$0x1], $0x2800, $0x38;
	[tilespmem:$0xB710] =	vst v63  }
0x2c: {  	_ =	swait.ge [sflag:s23], $0x2800  }
0x2d: {  	[sflag:s23] =	ssyncset.done $0x0  }
0x2e: {  	[sflag:s23] =	ssyncadd.s32 $0xFFFFD800  }
0x2f: {  	[spmem:s8] =	stream.linear.scatter [tilespmem:s22], [sflag:$0x1], $0x2800, $0x38;
	[tilespmem:$0xB710] =	vst v63  }
0x30: {  	_ =	swait.ge [sflag:s23], $0x2800  }
0x31: {  	[sflag:s23] =	ssyncset.done $0x0  }
0x32: {  	[sflag:s23] =	ssyncadd.s32 $0xFFFFD800  }
0x33: {  	[spmem:s9] =	stream.linear.scatter [tilespmem:s22], [sflag:$0x1], $0x2800, $0x38;
	[tilespmem:$0xB710] =	vst v63  }
0x34: {  	_ =	swait.ge [sflag:s23], $0x2800  }
0x35: {  	[sflag:s23] =	ssyncset.done $0x0  }
0x36: {  	[sflag:s23] =	ssyncadd.s32 $0xFFFFD800  }
0x37: {  	[spmem:s10] =	stream.linear.scatter [tilespmem:s22], [sflag:$0x1], $0x2800, $0x38;
	[tilespmem:$0xB710] =	vst v63  }
0x38: {  	_ =	swait.ge [sflag:s23], $0x2800  }
0x39: {  	[sflag:s23] =	ssyncset.done $0x0  }
0x3a: {  	[sflag:s23] =	ssyncadd.s32 $0xFFFFD800  }
0x3b: {  	[spmem:s11] =	stream.linear.scatter [tilespmem:s22], [sflag:$0x1], $0x2800, $0x38;
	[tilespmem:$0xB710] =	vst v63  }
0x3c: {  	_ =	swait.ge [sflag:s23], $0x2800  }
0x3d: {  	[sflag:s23] =	ssyncset.done $0x0  }
0x3e: {  	[sflag:s23] =	ssyncadd.s32 $0xFFFFD800  }
0x3f: {  	[spmem:s12] =	stream.linear.scatter [tilespmem:s22], [sflag:$0x1], $0x2800, $0x38;
	[tilespmem:$0xB710] =	vst v63  }
0x40: {  	_ =	swait.ge [sflag:s23], $0x2800  }
0x41: {  	[sflag:s23] =	ssyncset.done $0x0  }
0x42: {  	s26 =	simm.s32 @!p0 $0x6800;
	[sflag:s23] =	ssyncadd.s32 $0xFFFFD800  }
0x43: {  	[spmem:s13] =	stream.linear.scatter @!p0 [tilespmem:s26], [sflag:$0x1], $0x2800, $0x38;
	[tilespmem:$0xB710] =	vst v63  }
0x44: {  	s26 =	simm.s32 @!p0 $0x1  }
0x45: {  	_ =	swait.ge @!p0 [sflag:s26], $0x2800  }
0x46: {  	[sflag:s26] =	ssyncset.done @!p0 $0x0  }
0x47: {  	[sflag:s26] =	ssyncadd.s32 @!p0 $0xFFFFD800  }
0x48: {  	s30 =	simm.s32 $0x0;
	[bflag:$0x0] =	sbarrier.arrive $0xFFFF  }
0x49: {  	[tilespmem:s30], [sflag:$0x1] =	stream.linear.gather [hbm4b:s4+s30], $0x3E80, $0x38;
	[tilespmem:$0xB710] =	vst v63  }
0x4a: {  	_ =	swait.ge [sflag:s23], $0x3E80  }
0x4b: {  	[sflag:s23] =	ssyncset.done $0x0  }
0x4c: {  	s31 =	simm.s32 $0x0;
	[sflag:s23] =	ssyncadd.s32 $0xFFFFC180  }
0x4d: {  	[spmem:s1] =	stream.indirect.scatter.add.f32 [tilespmem:s25], [sflag:$0x1], $0x10, s31, s24, $0xb8;
	[tilespmem:$0xB710] =	vst v63  }
0x4e: {  	_ =	swait.ge [sflag:s23], $0x500  }
0x4f: {  	s26 =	simm.s32 $0x200;
	[sflag:s23] =	ssyncset.done $0x0  }
.LBB2_6:
0x50: {  	s28 =	sshra.s32 s26, $0x2;
	[sflag:s23] =	ssyncadd.s32 $0xFFFFFB00;
	p1 =	sne.s32 s26, $0xF800  }
0x51: {  	[spmem:s1] =	stream.indirect.scatter.add.f32 [tilespmem:s25], [sflag:$0x1], $0x10, s28, s24, $0xb8;
	[tilespmem:$0xB710] =	vst v63  }
.Ltmp2:
0x52: {  	_ = 	snop;
	(pc) =	sbr.rel @p1 .LBB2_6-.Ltmp2, $4  }
0x53: {  	_ = 	snop  }
0x54: {  	s26 =	sadd.s32 $0x200, s26  }
0x55: {  	_ =	swait.ge [sflag:s23], $0x500  }
0x56: {  	[sflag:s23] =	ssyncset.done $0x0  }
0x57: {  	[sflag:s23] =	ssyncadd.s32 $0xFFFFFB00;
	s26 =	sshll.u32 s3, $0x6  }
0x58: {  	s28 =	sshrl.u32 s6, $0x3;
	[bflag:$0x0] =	sbarrier.arrive $0xFFFF;
	s26 =	sor.u32 $0x1C01, s26  }
0x59: {  	[hbm:s14], [sflag:s26] =	dma.local [spmem:s28], $0x500  }
0x5a: {  	_ =	swait.ge [sflag:s23], $0x500  }
0x5b: {  	[sflag:s23] =	ssyncset.done $0x0  }
0x5c: {  	s29 =	sshrl.u32 s7, $0x3;
	[sflag:s23] =	ssyncadd.s32 $0xFFFFFB00  }
0x5d: {  	[hbm:s15], [sflag:s26] =	dma.local [spmem:s29], $0x500  }
0x5e: {  	_ =	swait.ge [sflag:s23], $0x500  }
0x5f: {  	[sflag:s23] =	ssyncset.done $0x0  }
0x60: {  	s30 =	sshrl.u32 s8, $0x3;
	[sflag:s23] =	ssyncadd.s32 $0xFFFFFB00  }
0x61: {  	[hbm:s16], [sflag:s26] =	dma.local [spmem:s30], $0x500  }
0x62: {  	_ =	swait.ge [sflag:s23], $0x500  }
0x63: {  	[sflag:s23] =	ssyncset.done $0x0  }
0x64: {  	s31 =	sshrl.u32 s9, $0x3;
	[sflag:s23] =	ssyncadd.s32 $0xFFFFFB00  }
0x65: {  	[hbm:s17], [sflag:s26] =	dma.local [spmem:s31], $0x500  }
0x66: {  	_ =	swait.ge [sflag:s23], $0x500  }
0x67: {  	[sflag:s23] =	ssyncset.done $0x0  }
0x68: {  	s29 =	sshrl.u32 s10, $0x3;
	[sflag:s23] =	ssyncadd.s32 $0xFFFFFB00  }
0x69: {  	[hbm:s18], [sflag:s26] =	dma.local [spmem:s29], $0x500  }
0x6a: {  	_ =	swait.ge [sflag:s23], $0x500  }
0x6b: {  	[sflag:s23] =	ssyncset.done $0x0  }
0x6c: {  	s30 =	sshrl.u32 s11, $0x3;
	[sflag:s23] =	ssyncadd.s32 $0xFFFFFB00  }
0x6d: {  	[hbm:s19], [sflag:s26] =	dma.local [spmem:s30], $0x500  }
0x6e: {  	_ =	swait.ge [sflag:s23], $0x500  }
0x6f: {  	[sflag:s23] =	ssyncset.done $0x0  }
0x70: {  	s31 =	sshrl.u32 s12, $0x3;
	[sflag:s23] =	ssyncadd.s32 $0xFFFFFB00  }
0x71: {  	[hbm:s20], [sflag:s26] =	dma.local [spmem:s31], $0x500  }
0x72: {  	_ =	swait.ge [sflag:s23], $0x500  }
0x73: {  	s2 =	sadd.s32 $0x1, s2;
	[sflag:s23] =	ssyncset.done $0x0  }
0x74: {  	p1 =	sne.s32 s2, s5;
	s28 =	sshrl.u32 @!p0 s13, $0x3;
	[sflag:s23] =	ssyncadd.s32 $0xFFFFFB00  }
0x75: {  	[hbm:s21], [sflag:s26] =	dma.local @!p0 [spmem:s28], $0x500  }
.Ltmp3:
0x76: {  	_ = 	snop;
	(pc) =	sbr.rel @p1 .LBB2_1-.Ltmp3, $4  }
0x77: {  	s26 =	simm.s32 @!p0 $0x1  }
0x78: {  	_ =	swait.ge @!p0 [sflag:s26], $0x500  }
0x79: {  	[sflag:s26] =	ssyncset.done @!p0 $0x0  }
0x7a: {  	[sflag:s26] =	ssyncadd.s32 @!p0 $0xFFFFFB00  }
0x7b: {  	_ =	sfence.sel $0x180000  }
0x7c: {  	[bflag:$0x0] =	sbarrier.arrive $0xFFFF  }
0x7d: {  	p0 =	sne.s32 s3, $0x0;
	_ =	strace $0x90000047  }
0x7e: {  	s0 =	sadd.s32 @!p0 $0x100000, s0;
	[bflag:$0x2] =	sbarrier.arrive $0xFFFF  }
0x7f: {  	[sflag:s0] =	ssyncadd.tile.s32 @!p0 $0x1;
	_ =	shalt  }
.Lfunc_end2:
_tile_overlayer_lowered:
.L_overlay_start_2:
0x80: {  	(tag) =	ssettag $0x2  }
0x81: {  	s0 =	rddreg [dreg:$0x0];
	s2 =	stileid.u32  }
0x82: {  	s1 =	rddreg [dreg:$0x1];
	p0 =	sne.s32 s2, $0x0  }
0x83: {  	s3 =	rddreg [dreg:$0x2];
	[bflag:$0x3] =	sbarrier.arrive $0xFFFF;
	s2 =	simm.s32 @!p0 $0x1C01  }
0x84: {  	[timem:s3], [sflag:s2] =	dma.local @!p0 [hbm:s0], s1  }
0x85: {  	s0 =	simm.s32 @!p0 $0x1  }
0x86: {  	_ =	swait.ge @!p0 [sflag:s0], s1  }
0x87: {  	s1 =	ssub.s32 @!p0 $0x0, s1;
	[sflag:s0] =	ssyncset.done @!p0 $0x0  }
0x88: {  	[sflag:s0] =	ssyncadd.s32 @!p0 s1  }
0x89: {  	[bflag:$0x3] =	sbarrier.arrive $0xFFFF  }
0x8a: {  	_ =	shalt  }

</sc_bundles>
